<compile_context>
chip_gen: v7x
topology: tpu7x:2x2x1
jax: 0.10.2.dev20260603
libtpu: 0.0.44.dev20260713+nightly
codegen_flags: <defaults>
</compile_context>

<pallas_src>
import functools

import jax
import jax.numpy as jnp
from jax import lax
from jax.experimental import pallas as pl
from jax.experimental.pallas import tpu as pltpu
from jax.experimental.pallas import tpu_sc as plsc


def _gather_sc(idx3, table, B, H, D, BB=128):
    info = plsc.get_sparse_core_info()
    nc, ns = info.num_cores, info.num_subcores
    nw = nc * ns
    nbt = B // BB
    n_units = H * nbt
    per_w = n_units // nw
    DT = D // 8
    mesh = plsc.VectorSubcoreMesh(core_axis_name="c", subcore_axis_name="s")

    @functools.partial(
        pl.kernel,
        mesh=mesh,
        out_type=jax.ShapeDtypeStruct((H, DT, nbt, 8, BB), jnp.float32),
        scratch_types=[
            pltpu.VMEM((2, BB), jnp.int32),
            pltpu.VMEM((2, BB, D), jnp.float32),
            pltpu.VMEM((2, DT, 8, BB + 1), jnp.float32),
            pltpu.SemaphoreType.DMA,
            pltpu.SemaphoreType.DMA,
            pltpu.SemaphoreType.DMA,
            pltpu.SemaphoreType.DMA,
            pltpu.SemaphoreType.DMA,
            pltpu.SemaphoreType.DMA,
        ],
        compiler_params=pltpu.CompilerParams(
            use_tc_tiling_on_sc=False, needs_layout_passes=False
        ),
    )
    def k(idx_hbm, table_hbm, out_hbm, idx_v, rows_v, trans_v,
          gs0, gs1, os0, os1, is0, is1):
        g_sems = (gs0, gs1)
        o_sems = (os0, os1)
        i_sems = (is0, is1)
        wid = lax.axis_index("s") * nc + lax.axis_index("c")
        base_u = wid * per_w
        iota16 = lax.iota(jnp.int32, 16)

        def out_slice(u):
            h = u // nbt
            bt = u % nbt
            return out_hbm.at[h, :, bt, :, :]

        def trans_src(b):
            return trans_v.at[b, :, :, pl.ds(0, BB)]

        def idx_slice(u):
            h = u // nbt
            bt = u % nbt
            return idx_hbm.at[h, bt]

        cvecs = [g * 16 + iota16 for g in range(D // 16)]
        dtvecs = [c >> 3 for c in cvecs]
        dlvecs = [c & 7 for c in cvecs]

        def transpose(b):
            @plsc.parallel_loop(0, BB, unroll=4)
            def _(bl):
                blv = jnp.full((16,), 0, jnp.int32) + bl
                for g in range(D // 16):
                    vals = plsc.load_gather(rows_v.at[b], [blv, cvecs[g]])
                    plsc.store_scatter(
                        trans_v.at[b], [dtvecs[g], dlvecs[g], blv], vals
                    )

        def table_rows(b):
            return table_hbm.at[idx_v.at[b]]

        for b in range(2):
            pltpu.sync_copy(idx_slice(base_u + b), idx_v.at[b])
            pltpu.async_copy(table_rows(b), rows_v.at[b], g_sems[b])

        def body(g, carry):
            for b in range(2):
                u = base_u + 2 * g + b
                more = (2 * g + b + 2 < per_w)
                pltpu.make_async_copy(
                    table_rows(b), rows_v.at[b], g_sems[b]
                ).wait()

                @pl.when(more)
                def _():
                    pltpu.async_copy(idx_slice(u + 2), idx_v.at[b], i_sems[b])

                @pl.when(g > 0)
                def _():
                    pltpu.make_async_copy(
                        trans_src(b), out_slice(u), o_sems[b]
                    ).wait()

                transpose(b)
                pltpu.async_copy(trans_src(b), out_slice(u), o_sems[b])

                @pl.when(more)
                def _():
                    pltpu.make_async_copy(
                        idx_slice(u + 2), idx_v.at[b], i_sems[b]
                    ).wait()
                    pltpu.async_copy(
                        table_rows(b), rows_v.at[b], g_sems[b]
                    )

            return carry

        lax.fori_loop(0, per_w // 2, body, 0)

        for b in range(2):
            u = base_u + per_w - 2 + b
            pltpu.make_async_copy(trans_src(b), out_slice(u), o_sems[b]).wait()

    return k(idx3, table)


def kernel(input_, weight):
    b, h = input_.shape
    v, d = weight.shape
    bb = 128
    nbt = b // bb
    idx3 = jnp.transpose(input_).reshape(h, nbt, bb) * 2
    wpad = jnp.pad(weight, ((0, 0), (0, 128 - d))).reshape(2 * v, d)
    po = _gather_sc(idx3, wpad, b, h, d, BB=bb)
    return po.transpose(2, 4, 0, 1, 3).reshape(b, h, d)

# --- scband reference (transcript-rebuilt; emitter-appended) ---
"""Pipeline reference for scband-vocab-parallel-embedding-10247791968891 (READ-ONLY COPY).

The authoritative reference and input builder live on the scoring server;
editing this copy changes nothing except your own understanding.
"""

import jax, jax.numpy as jnp
import numpy as np

NUM_EMBEDDINGS = 1000000
EMBEDDING_DIM = 64
BATCH = 16384
HIST = 50


def setup_inputs(seed: int = 0) -> dict:
    key = jax.random.key(seed)
    k_idx, k_w = jax.random.split(key)
    input_ = jax.random.randint(k_idx, (BATCH, HIST), 0, NUM_EMBEDDINGS, dtype=jnp.int32)
    # xavier_normal_ init for the embedding table: std = sqrt(2 / (fan_in + fan_out))
    std = float(np.sqrt(2.0 / (NUM_EMBEDDINGS + EMBEDDING_DIM)))
    weight = jax.random.normal(k_w, (NUM_EMBEDDINGS, EMBEDDING_DIM), dtype=jnp.float32) * std
    return {"input_": input_, "weight": weight}


def reference(input_, weight):
    # tensor_model_parallel_size == 1 path: masked_input = input_, plain F.embedding,
    # and reduce_from_tensor_model_parallel_region is identity for world_size 1.
    output = jnp.take(weight, input_, axis=0)
    return output

if __name__ == "__main__":
    import jax
    _d = setup_inputs()
    print(jax.jit(kernel)(*tuple(_d.values())))

</pallas_src>

<mosaic_0001>
#map = affine_map<(d0, d1) -> (0, 0, 0)>
#map1 = affine_map<(d0, d1) -> (0, 0)>
#map2 = affine_map<(d0, d1) -> (0, 0, 0, 0, 0)>
module attributes {stable_mosaic.version = 14 : i64} {
  func.func @k(%arg0: i32, %arg1: i32, %arg2: memref<50x128x128xi32, #tpu.memory_space<hbm>>, %arg3: memref<2000000x64xf32, #tpu.memory_space<hbm>>, %arg4: memref<50x8x128x8x128xf32, #tpu.memory_space<hbm>>, %arg5: memref<2x128xi32, #tpu.memory_space<vmem>>, %arg6: memref<2x128x64xf32, #tpu.memory_space<vmem>>, %arg7: memref<2x8x8x129xf32, #tpu.memory_space<vmem>>, %arg8: memref<!tpu.dma_semaphore, #tpu.memory_space<semaphore_mem>>, %arg9: memref<!tpu.dma_semaphore, #tpu.memory_space<semaphore_mem>>, %arg10: memref<!tpu.dma_semaphore, #tpu.memory_space<semaphore_mem>>, %arg11: memref<!tpu.dma_semaphore, #tpu.memory_space<semaphore_mem>>, %arg12: memref<!tpu.dma_semaphore, #tpu.memory_space<semaphore_mem>>, %arg13: memref<!tpu.dma_semaphore, #tpu.memory_space<semaphore_mem>>) attributes {dimension_semantics = [#tpu.dimension_semantics<core_parallel>, #tpu.dimension_semantics<subcore_parallel>], iteration_bounds = array<i64: 2, 16>, scalar_prefetch = 0 : i64, scratch_operands = 9 : i64, tpu.core_type = #tpu.core_type<sc_vector_subcore>, window_params = [{transform_indices = #map}, {transform_indices = #map1}, {transform_indices = #map2}]} {
    %mul3A = arith.constant 2 : i32
    %mul3A_0 = arith.muli %arg1, %mul3A : i32
    %add3A = arith.addi %mul3A_0, %arg0 : i32
    %mul3A_1 = arith.constant 200 : i32
    %mul3A_2 = arith.muli %add3A, %mul3A_1 : i32
    %iota3A = tpu.iota {dimensions = array<i32: 0>} : vector<16xi32>
    %add3A_3 = arith.constant 0 : i32
    %add3A_4 = vector.broadcast %add3A_3 : i32 to vector<16xi32>
    %add3A_5 = arith.addi %add3A_4, %iota3A : vector<16xi32>
    %add3A_6 = arith.constant 16 : i32
    %add3A_7 = vector.broadcast %add3A_6 : i32 to vector<16xi32>
    %add3A_8 = arith.addi %add3A_7, %iota3A : vector<16xi32>
    %add3A_9 = arith.constant 32 : i32
    %add3A_10 = vector.broadcast %add3A_9 : i32 to vector<16xi32>
    %add3A_11 = arith.addi %add3A_10, %iota3A : vector<16xi32>
    %add3A_12 = arith.constant 48 : i32
    %add3A_13 = vector.broadcast %add3A_12 : i32 to vector<16xi32>
    %add3A_14 = arith.addi %add3A_13, %iota3A : vector<16xi32>
    %shift_right_arithmetic3A = arith.constant 3 : i32
    %shift_right_arithmetic3A_15 = vector.broadcast %shift_right_arithmetic3A : i32 to vector<16xi32>
    %shift_right_arithmetic3A_16 = arith.shrsi %add3A_5, %shift_right_arithmetic3A_15 : vector<16xi32>
    %shift_right_arithmetic3A_17 = arith.constant 3 : i32
    %shift_right_arithmetic3A_18 = vector.broadcast %shift_right_arithmetic3A_17 : i32 to vector<16xi32>
    %shift_right_arithmetic3A_19 = arith.shrsi %add3A_8, %shift_right_arithmetic3A_18 : vector<16xi32>
    %shift_right_arithmetic3A_20 = arith.constant 3 : i32
    %shift_right_arithmetic3A_21 = vector.broadcast %shift_right_arithmetic3A_20 : i32 to vector<16xi32>
    %shift_right_arithmetic3A_22 = arith.shrsi %add3A_11, %shift_right_arithmetic3A_21 : vector<16xi32>
    %shift_right_arithmetic3A_23 = arith.constant 3 : i32
    %shift_right_arithmetic3A_24 = vector.broadcast %shift_right_arithmetic3A_23 : i32 to vector<16xi32>
    %shift_right_arithmetic3A_25 = arith.shrsi %add3A_14, %shift_right_arithmetic3A_24 : vector<16xi32>
    %and3A = arith.constant 7 : i32
    %and3A_26 = vector.broadcast %and3A : i32 to vector<16xi32>
    %and3A_27 = arith.andi %add3A_5, %and3A_26 : vector<16xi32>
    %and3A_28 = arith.constant 7 : i32
    %and3A_29 = vector.broadcast %and3A_28 : i32 to vector<16xi32>
    %and3A_30 = arith.andi %add3A_8, %and3A_29 : vector<16xi32>
    %and3A_31 = arith.constant 7 : i32
    %and3A_32 = vector.broadcast %and3A_31 : i32 to vector<16xi32>
    %and3A_33 = arith.andi %add3A_11, %and3A_32 : vector<16xi32>
    %and3A_34 = arith.constant 7 : i32
    %and3A_35 = vector.broadcast %and3A_34 : i32 to vector<16xi32>
    %and3A_36 = arith.andi %add3A_14, %and3A_35 : vector<16xi32>
    %add3A_37 = arith.constant 0 : i32
    %add3A_38 = arith.addi %mul3A_2, %add3A_37 : i32
    %jit3A = arith.constant 128 : i32
    %div3A = arith.divsi %add3A_38, %jit3A : i32
    %sign3A = arith.constant 0 : i32
    %sign3A_39 = arith.cmpi sgt, %add3A_38, %sign3A : i32
    %sign3A_40 = arith.extui %sign3A_39 : i1 to i32
    %sign3A_41 = arith.constant 0 : i32
    %sign3A_42 = arith.cmpi slt, %add3A_38, %sign3A_41 : i32
    %sign3A_43 = arith.extui %sign3A_42 : i1 to i32
    %sign3A_44 = arith.subi %sign3A_40, %sign3A_43 : i32
    %sign3A_45 = arith.constant 0 : i32
    %sign3A_46 = arith.cmpi sgt, %jit3A, %sign3A_45 : i32
    %sign3A_47 = arith.extui %sign3A_46 : i1 to i32
    %sign3A_48 = arith.constant 0 : i32
    %sign3A_49 = arith.cmpi slt, %jit3A, %sign3A_48 : i32
    %sign3A_50 = arith.extui %sign3A_49 : i1 to i32
    %sign3A_51 = arith.subi %sign3A_47, %sign3A_50 : i32
    %ne3A = arith.cmpi ne, %sign3A_44, %sign3A_51 : i32
    %rem3A = arith.remsi %add3A_38, %jit3A : i32
    %ne3A_52 = arith.constant 0 : i32
    %ne3A_53 = arith.cmpi ne, %rem3A, %ne3A_52 : i32
    %and3A_54 = arith.andi %ne3A, %ne3A_53 : i1
    %sub3A = arith.constant 1 : i32
    %sub3A_55 = arith.subi %div3A, %sub3A : i32
    %select_n3A = arith.select %and3A_54, %sub3A_55, %div3A : i32
    %jit3A_56 = arith.constant 128 : i32
    %eq3A = arith.constant 0 : i32
    %eq3A_57 = arith.cmpi eq, %jit3A_56, %eq3A : i32
    %jit3A_58 = arith.constant 1 : i32
    %select_n3A_59 = arith.select %eq3A_57, %jit3A_58, %jit3A_56 : i32
    %rem3A_60 = arith.remsi %add3A_38, %select_n3A_59 : i32
    %ne3A_61 = arith.constant 0 : i32
    %ne3A_62 = arith.cmpi ne, %rem3A_60, %ne3A_61 : i32
    %lt3A = arith.constant 0 : i32
    %lt3A_63 = arith.cmpi slt, %rem3A_60, %lt3A : i32
    %lt3A_64 = arith.constant 0 : i32
    %lt3A_65 = arith.cmpi slt, %select_n3A_59, %lt3A_64 : i32
    %ne3A_66 = arith.xori %lt3A_63, %lt3A_65 : i1
    %and3A_67 = arith.andi %ne3A_66, %ne3A_62 : i1
    %add3A_68 = arith.addi %rem3A_60, %select_n3A_59 : i32
    %select_n3A_69 = arith.select %and3A_67, %add3A_68, %rem3A_60 : i32
    %run_scoped3A = arith.constant 0 : i32
    "tpu.region"() ({
      %run_scoped3A_274 = tpu.sem_alloc : memref<!tpu.dma_semaphore, #tpu.memory_space<semaphore_mem>>
      %dma_start3A_275 = arith.constant 0 : i32
      %dma_start3A_276 = tpu.memref_slice %arg5[%run_scoped3A, %dma_start3A_275] : memref<2x128xi32, #tpu.memory_space<vmem>> -> memref<1x128xi32, #tpu.memory_space<vmem>>
      %dma_start3A_277 = tpu.memref_squeeze %dma_start3A_276 : memref<1x128xi32, #tpu.memory_space<vmem>> -> memref<128xi32, #tpu.memory_space<vmem>>
      %dma_start3A_278 = arith.constant 0 : i32
      %dma_start3A_279 = tpu.memref_slice %arg2[%select_n3A, %select_n3A_69, %dma_start3A_278] : memref<50x128x128xi32, #tpu.memory_space<hbm>> -> memref<1x1x128xi32, #tpu.memory_space<hbm>>
      %dma_start3A_280 = tpu.memref_squeeze %dma_start3A_279 : memref<1x1x128xi32, #tpu.memory_space<hbm>> -> memref<128xi32, #tpu.memory_space<hbm>>
      %dma_start3A_281 = arith.constant 0 : i32
      %dma_start3A_282 = tpu.memref_slice %arg5[%run_scoped3A, %dma_start3A_281] : memref<2x128xi32, #tpu.memory_space<vmem>> -> memref<1x128xi32, #tpu.memory_space<vmem>>
      %dma_start3A_283 = tpu.memref_squeeze %dma_start3A_282 : memref<1x128xi32, #tpu.memory_space<vmem>> -> memref<128xi32, #tpu.memory_space<vmem>>
      %dma_start3A_284 = arith.constant 0 : i32
      %dma_start3A_285 = tpu.memref_slice %arg2[%select_n3A, %select_n3A_69, %dma_start3A_284] : memref<50x128x128xi32, #tpu.memory_space<hbm>> -> memref<1x1x128xi32, #tpu.memory_space<hbm>>
      %dma_start3A_286 = tpu.memref_squeeze %dma_start3A_285 : memref<1x1x128xi32, #tpu.memory_space<hbm>> -> memref<128xi32, #tpu.memory_space<hbm>>
      tpu.enqueue_dma source(%dma_start3A_286 : memref<128xi32, #tpu.memory_space<hbm>>) target(%dma_start3A_283 : memref<128xi32, #tpu.memory_space<vmem>>) target_semaphore(%run_scoped3A_274 : memref<!tpu.dma_semaphore, #tpu.memory_space<semaphore_mem>>)
      %dma_wait3A_287 = arith.constant 0 : i32
      %dma_wait3A_288 = tpu.memref_slice %arg5[%run_scoped3A, %dma_wait3A_287] : memref<2x128xi32, #tpu.memory_space<vmem>> -> memref<1x128xi32, #tpu.memory_space<vmem>>
      %dma_wait3A_289 = tpu.memref_squeeze %dma_wait3A_288 : memref<1x128xi32, #tpu.memory_space<vmem>> -> memref<128xi32, #tpu.memory_space<vmem>>
      %dma_wait3A_290 = arith.constant 0 : i32
      %dma_wait3A_291 = tpu.memref_slice %arg2[%select_n3A, %select_n3A_69, %dma_wait3A_290] : memref<50x128x128xi32, #tpu.memory_space<hbm>> -> memref<1x1x128xi32, #tpu.memory_space<hbm>>
      %dma_wait3A_292 = tpu.memref_squeeze %dma_wait3A_291 : memref<1x1x128xi32, #tpu.memory_space<hbm>> -> memref<128xi32, #tpu.memory_space<hbm>>
      %dma_wait3A_293 = arith.constant 0 : i32
      %dma_wait3A_294 = tpu.memref_slice %arg5[%run_scoped3A, %dma_wait3A_293] : memref<2x128xi32, #tpu.memory_space<vmem>> -> memref<1x128xi32, #tpu.memory_space<vmem>>
      %dma_wait3A_295 = tpu.memref_squeeze %dma_wait3A_294 : memref<1x128xi32, #tpu.memory_space<vmem>> -> memref<128xi32, #tpu.memory_space<vmem>>
      %dma_wait3A_296 = arith.constant 0 : i32
      %dma_wait3A_297 = tpu.memref_slice %arg2[%select_n3A, %select_n3A_69, %dma_wait3A_296] : memref<50x128x128xi32, #tpu.memory_space<hbm>> -> memref<1x1x128xi32, #tpu.memory_space<hbm>>
      %dma_wait3A_298 = tpu.memref_squeeze %dma_wait3A_297 : memref<1x1x128xi32, #tpu.memory_space<hbm>> -> memref<128xi32, #tpu.memory_space<hbm>>
      tpu.wait_dma2 semaphore(%run_scoped3A_274 : memref<!tpu.dma_semaphore, #tpu.memory_space<semaphore_mem>>) src(%dma_wait3A_298 : memref<128xi32, #tpu.memory_space<hbm>>) dst(%dma_wait3A_295 : memref<128xi32, #tpu.memory_space<vmem>>)
      tpu.yield
    }) : () -> ()
    %dma_start3A = arith.constant 0 : i32
    %dma_start3A_70 = arith.constant 0 : i32
    %dma_start3A_71 = arith.constant 0 : i32
    %dma_start3A_72 = arith.constant 0 : i32
    %dma_start3A_73 = tpu.memref_slice %arg6[%dma_start3A_70, %dma_start3A_71, %dma_start3A_72] : memref<2x128x64xf32, #tpu.memory_space<vmem>> -> memref<1x128x64xf32, #tpu.memory_space<vmem>>
    %dma_start3A_74 = tpu.memref_squeeze %dma_start3A_73 : memref<1x128x64xf32, #tpu.memory_space<vmem>> -> memref<128x64xf32, #tpu.memory_space<vmem>>
    %dma_start3A_75 = arith.constant 0 : i32
    %dma_start3A_76 = tpu.memref_slice %arg5[%dma_start3A, %dma_start3A_75] : memref<2x128xi32, #tpu.memory_space<vmem>> -> memref<1x128xi32, #tpu.memory_space<vmem>>
    %dma_start3A_77 = tpu.memref_squeeze %dma_start3A_76 : memref<1x128xi32, #tpu.memory_space<vmem>> -> memref<128xi32, #tpu.memory_space<vmem>>
    %dma_start3A_78 = arith.constant 0 : i32
    %dma_start3A_79 = arith.constant 0 : i32
    %dma_start3A_80 = tpu.memref_slice %arg3[%dma_start3A_78, %dma_start3A_79] : memref<2000000x64xf32, #tpu.memory_space<hbm>> -> memref<2000000x64xf32, #tpu.memory_space<hbm>>
    tpu.enqueue_indirect_dma source(%dma_start3A_80 : memref<2000000x64xf32, #tpu.memory_space<hbm>>) target(%dma_start3A_74 : memref<128x64xf32, #tpu.memory_space<vmem>>) offsets(%dma_start3A_77 : memref<128xi32, #tpu.memory_space<vmem>>) semaphore(%arg8 : memref<!tpu.dma_semaphore, #tpu.memory_space<semaphore_mem>>)
    %add3A_81 = arith.constant 1 : i32
    %add3A_82 = arith.addi %mul3A_2, %add3A_81 : i32
    %jit3A_83 = arith.constant 128 : i32
    %div3A_84 = arith.divsi %add3A_82, %jit3A_83 : i32
    %sign3A_85 = arith.constant 0 : i32
    %sign3A_86 = arith.cmpi sgt, %add3A_82, %sign3A_85 : i32
    %sign3A_87 = arith.extui %sign3A_86 : i1 to i32
    %sign3A_88 = arith.constant 0 : i32
    %sign3A_89 = arith.cmpi slt, %add3A_82, %sign3A_88 : i32
    %sign3A_90 = arith.extui %sign3A_89 : i1 to i32
    %sign3A_91 = arith.subi %sign3A_87, %sign3A_90 : i32
    %sign3A_92 = arith.constant 0 : i32
    %sign3A_93 = arith.cmpi sgt, %jit3A_83, %sign3A_92 : i32
    %sign3A_94 = arith.extui %sign3A_93 : i1 to i32
    %sign3A_95 = arith.constant 0 : i32
    %sign3A_96 = arith.cmpi slt, %jit3A_83, %sign3A_95 : i32
    %sign3A_97 = arith.extui %sign3A_96 : i1 to i32
    %sign3A_98 = arith.subi %sign3A_94, %sign3A_97 : i32
    %ne3A_99 = arith.cmpi ne, %sign3A_91, %sign3A_98 : i32
    %rem3A_100 = arith.remsi %add3A_82, %jit3A_83 : i32
    %ne3A_101 = arith.constant 0 : i32
    %ne3A_102 = arith.cmpi ne, %rem3A_100, %ne3A_101 : i32
    %and3A_103 = arith.andi %ne3A_99, %ne3A_102 : i1
    %sub3A_104 = arith.constant 1 : i32
    %sub3A_105 = arith.subi %div3A_84, %sub3A_104 : i32
    %select_n3A_106 = arith.select %and3A_103, %sub3A_105, %div3A_84 : i32
    %jit3A_107 = arith.constant 128 : i32
    %eq3A_108 = arith.constant 0 : i32
    %eq3A_109 = arith.cmpi eq, %jit3A_107, %eq3A_108 : i32
    %jit3A_110 = arith.constant 1 : i32
    %select_n3A_111 = arith.select %eq3A_109, %jit3A_110, %jit3A_107 : i32
    %rem3A_112 = arith.remsi %add3A_82, %select_n3A_111 : i32
    %ne3A_113 = arith.constant 0 : i32
    %ne3A_114 = arith.cmpi ne, %rem3A_112, %ne3A_113 : i32
    %lt3A_115 = arith.constant 0 : i32
    %lt3A_116 = arith.cmpi slt, %rem3A_112, %lt3A_115 : i32
    %lt3A_117 = arith.constant 0 : i32
    %lt3A_118 = arith.cmpi slt, %select_n3A_111, %lt3A_117 : i32
    %ne3A_119 = arith.xori %lt3A_116, %lt3A_118 : i1
    %and3A_120 = arith.andi %ne3A_119, %ne3A_114 : i1
    %add3A_121 = arith.addi %rem3A_112, %select_n3A_111 : i32
    %select_n3A_122 = arith.select %and3A_120, %add3A_121, %rem3A_112 : i32
    %run_scoped3A_123 = arith.constant 1 : i32
    "tpu.region"() ({
      %run_scoped3A_274 = tpu.sem_alloc : memref<!tpu.dma_semaphore, #tpu.memory_space<semaphore_mem>>
      %dma_start3A_275 = arith.constant 0 : i32
      %dma_start3A_276 = tpu.memref_slice %arg5[%run_scoped3A_123, %dma_start3A_275] : memref<2x128xi32, #tpu.memory_space<vmem>> -> memref<1x128xi32, #tpu.memory_space<vmem>>
      %dma_start3A_277 = tpu.memref_squeeze %dma_start3A_276 : memref<1x128xi32, #tpu.memory_space<vmem>> -> memref<128xi32, #tpu.memory_space<vmem>>
      %dma_start3A_278 = arith.constant 0 : i32
      %dma_start3A_279 = tpu.memref_slice %arg2[%select_n3A_106, %select_n3A_122, %dma_start3A_278] : memref<50x128x128xi32, #tpu.memory_space<hbm>> -> memref<1x1x128xi32, #tpu.memory_space<hbm>>
      %dma_start3A_280 = tpu.memref_squeeze %dma_start3A_279 : memref<1x1x128xi32, #tpu.memory_space<hbm>> -> memref<128xi32, #tpu.memory_space<hbm>>
      %dma_start3A_281 = arith.constant 0 : i32
      %dma_start3A_282 = tpu.memref_slice %arg5[%run_scoped3A_123, %dma_start3A_281] : memref<2x128xi32, #tpu.memory_space<vmem>> -> memref<1x128xi32, #tpu.memory_space<vmem>>
      %dma_start3A_283 = tpu.memref_squeeze %dma_start3A_282 : memref<1x128xi32, #tpu.memory_space<vmem>> -> memref<128xi32, #tpu.memory_space<vmem>>
      %dma_start3A_284 = arith.constant 0 : i32
      %dma_start3A_285 = tpu.memref_slice %arg2[%select_n3A_106, %select_n3A_122, %dma_start3A_284] : memref<50x128x128xi32, #tpu.memory_space<hbm>> -> memref<1x1x128xi32, #tpu.memory_space<hbm>>
      %dma_start3A_286 = tpu.memref_squeeze %dma_start3A_285 : memref<1x1x128xi32, #tpu.memory_space<hbm>> -> memref<128xi32, #tpu.memory_space<hbm>>
      tpu.enqueue_dma source(%dma_start3A_286 : memref<128xi32, #tpu.memory_space<hbm>>) target(%dma_start3A_283 : memref<128xi32, #tpu.memory_space<vmem>>) target_semaphore(%run_scoped3A_274 : memref<!tpu.dma_semaphore, #tpu.memory_space<semaphore_mem>>)
      %dma_wait3A_287 = arith.constant 0 : i32
      %dma_wait3A_288 = tpu.memref_slice %arg5[%run_scoped3A_123, %dma_wait3A_287] : memref<2x128xi32, #tpu.memory_space<vmem>> -> memref<1x128xi32, #tpu.memory_space<vmem>>
      %dma_wait3A_289 = tpu.memref_squeeze %dma_wait3A_288 : memref<1x128xi32, #tpu.memory_space<vmem>> -> memref<128xi32, #tpu.memory_space<vmem>>
      %dma_wait3A_290 = arith.constant 0 : i32
      %dma_wait3A_291 = tpu.memref_slice %arg2[%select_n3A_106, %select_n3A_122, %dma_wait3A_290] : memref<50x128x128xi32, #tpu.memory_space<hbm>> -> memref<1x1x128xi32, #tpu.memory_space<hbm>>
      %dma_wait3A_292 = tpu.memref_squeeze %dma_wait3A_291 : memref<1x1x128xi32, #tpu.memory_space<hbm>> -> memref<128xi32, #tpu.memory_space<hbm>>
      %dma_wait3A_293 = arith.constant 0 : i32
      %dma_wait3A_294 = tpu.memref_slice %arg5[%run_scoped3A_123, %dma_wait3A_293] : memref<2x128xi32, #tpu.memory_space<vmem>> -> memref<1x128xi32, #tpu.memory_space<vmem>>
      %dma_wait3A_295 = tpu.memref_squeeze %dma_wait3A_294 : memref<1x128xi32, #tpu.memory_space<vmem>> -> memref<128xi32, #tpu.memory_space<vmem>>
      %dma_wait3A_296 = arith.constant 0 : i32
      %dma_wait3A_297 = tpu.memref_slice %arg2[%select_n3A_106, %select_n3A_122, %dma_wait3A_296] : memref<50x128x128xi32, #tpu.memory_space<hbm>> -> memref<1x1x128xi32, #tpu.memory_space<hbm>>
      %dma_wait3A_298 = tpu.memref_squeeze %dma_wait3A_297 : memref<1x1x128xi32, #tpu.memory_space<hbm>> -> memref<128xi32, #tpu.memory_space<hbm>>
      tpu.wait_dma2 semaphore(%run_scoped3A_274 : memref<!tpu.dma_semaphore, #tpu.memory_space<semaphore_mem>>) src(%dma_wait3A_298 : memref<128xi32, #tpu.memory_space<hbm>>) dst(%dma_wait3A_295 : memref<128xi32, #tpu.memory_space<vmem>>)
      tpu.yield
    }) : () -> ()
    %dma_start3A_124 = arith.constant 1 : i32
    %dma_start3A_125 = arith.constant 1 : i32
    %dma_start3A_126 = arith.constant 0 : i32
    %dma_start3A_127 = arith.constant 0 : i32
    %dma_start3A_128 = tpu.memref_slice %arg6[%dma_start3A_125, %dma_start3A_126, %dma_start3A_127] : memref<2x128x64xf32, #tpu.memory_space<vmem>> -> memref<1x128x64xf32, #tpu.memory_space<vmem>>
    %dma_start3A_129 = tpu.memref_squeeze %dma_start3A_128 : memref<1x128x64xf32, #tpu.memory_space<vmem>> -> memref<128x64xf32, #tpu.memory_space<vmem>>
    %dma_start3A_130 = arith.constant 0 : i32
    %dma_start3A_131 = tpu.memref_slice %arg5[%dma_start3A_124, %dma_start3A_130] : memref<2x128xi32, #tpu.memory_space<vmem>> -> memref<1x128xi32, #tpu.memory_space<vmem>>
    %dma_start3A_132 = tpu.memref_squeeze %dma_start3A_131 : memref<1x128xi32, #tpu.memory_space<vmem>> -> memref<128xi32, #tpu.memory_space<vmem>>
    %dma_start3A_133 = arith.constant 0 : i32
    %dma_start3A_134 = arith.constant 0 : i32
    %dma_start3A_135 = tpu.memref_slice %arg3[%dma_start3A_133, %dma_start3A_134] : memref<2000000x64xf32, #tpu.memory_space<hbm>> -> memref<2000000x64xf32, #tpu.memory_space<hbm>>
    tpu.enqueue_indirect_dma source(%dma_start3A_135 : memref<2000000x64xf32, #tpu.memory_space<hbm>>) target(%dma_start3A_129 : memref<128x64xf32, #tpu.memory_space<vmem>>) offsets(%dma_start3A_132 : memref<128xi32, #tpu.memory_space<vmem>>) semaphore(%arg9 : memref<!tpu.dma_semaphore, #tpu.memory_space<semaphore_mem>>)
    %scan3A = arith.constant 0 : i32
    %scan3A_136 = arith.constant 0 : i32
    %scan3A_137 = arith.constant 100 : i32
    %scan3A_138 = arith.addi %scan3A_136, %scan3A_137 : i32
    %scan3A_139 = arith.constant 1 : i32
    scf.for %scan3A_274 = %scan3A_136 to %scan3A_138 step %scan3A_139  : i32 {
      %mul3A_275 = arith.constant 2 : i32
      %mul3A_276 = arith.muli %mul3A_275, %scan3A_274 : i32
      %add3A_277 = arith.addi %mul3A_2, %mul3A_276 : i32
      %add3A_278 = arith.constant 0 : i32
      %add3A_279 = arith.addi %add3A_277, %add3A_278 : i32
      %mul3A_280 = arith.constant 2 : i32
      %mul3A_281 = arith.muli %mul3A_280, %scan3A_274 : i32
      %add3A_282 = arith.constant 0 : i32
      %add3A_283 = arith.addi %mul3A_281, %add3A_282 : i32
      %add3A_284 = arith.constant 2 : i32
      %add3A_285 = arith.addi %add3A_283, %add3A_284 : i32
      %lt3A_286 = arith.constant 200 : i32
      %lt3A_287 = arith.cmpi slt, %add3A_285, %lt3A_286 : i32
      %dma_wait3A_288 = arith.constant 0 : i32
      %dma_wait3A_289 = arith.constant 0 : i32
      %dma_wait3A_290 = arith.constant 0 : i32
      %dma_wait3A_291 = arith.constant 0 : i32
      %dma_wait3A_292 = tpu.memref_slice %arg6[%dma_wait3A_289, %dma_wait3A_290, %dma_wait3A_291] : memref<2x128x64xf32, #tpu.memory_space<vmem>> -> memref<1x128x64xf32, #tpu.memory_space<vmem>>
      %dma_wait3A_293 = tpu.memref_squeeze %dma_wait3A_292 : memref<1x128x64xf32, #tpu.memory_space<vmem>> -> memref<128x64xf32, #tpu.memory_space<vmem>>
      %dma_wait3A_294 = arith.constant 0 : i32
      %dma_wait3A_295 = tpu.memref_slice %arg5[%dma_wait3A_288, %dma_wait3A_294] : memref<2x128xi32, #tpu.memory_space<vmem>> -> memref<1x128xi32, #tpu.memory_space<vmem>>
      %dma_wait3A_296 = tpu.memref_squeeze %dma_wait3A_295 : memref<1x128xi32, #tpu.memory_space<vmem>> -> memref<128xi32, #tpu.memory_space<vmem>>
      %dma_wait3A_297 = arith.constant 0 : i32
      %dma_wait3A_298 = arith.constant 0 : i32
      %dma_wait3A_299 = tpu.memref_slice %arg3[%dma_wait3A_297, %dma_wait3A_298] : memref<2000000x64xf32, #tpu.memory_space<hbm>> -> memref<2000000x64xf32, #tpu.memory_space<hbm>>
      tpu.wait_indirect_dma semaphore(%arg8 : memref<!tpu.dma_semaphore, #tpu.memory_space<semaphore_mem>>) src(%dma_wait3A_299 : memref<2000000x64xf32, #tpu.memory_space<hbm>>) dst(%dma_wait3A_293 : memref<128x64xf32, #tpu.memory_space<vmem>>)
      %convert_element_type3A = arith.extui %lt3A_287 : i1 to i32
      %cond3A = arith.constant 0 : i32
      %cond3A_300 = arith.cmpi ne, %convert_element_type3A, %cond3A : i32
      scf.if %cond3A_300 {
        %add3A_471 = arith.constant 2 : i32
        %add3A_472 = arith.addi %add3A_279, %add3A_471 : i32
        %jit3A_473 = arith.constant 128 : i32
        %div3A_474 = arith.divsi %add3A_472, %jit3A_473 : i32
        %sign3A_475 = arith.constant 0 : i32
        %sign3A_476 = arith.cmpi sgt, %add3A_472, %sign3A_475 : i32
        %sign3A_477 = arith.extui %sign3A_476 : i1 to i32
        %sign3A_478 = arith.constant 0 : i32
        %sign3A_479 = arith.cmpi slt, %add3A_472, %sign3A_478 : i32
        %sign3A_480 = arith.extui %sign3A_479 : i1 to i32
        %sign3A_481 = arith.subi %sign3A_477, %sign3A_480 : i32
        %sign3A_482 = arith.constant 0 : i32
        %sign3A_483 = arith.cmpi sgt, %jit3A_473, %sign3A_482 : i32
        %sign3A_484 = arith.extui %sign3A_483 : i1 to i32
        %sign3A_485 = arith.constant 0 : i32
        %sign3A_486 = arith.cmpi slt, %jit3A_473, %sign3A_485 : i32
        %sign3A_487 = arith.extui %sign3A_486 : i1 to i32
        %sign3A_488 = arith.subi %sign3A_484, %sign3A_487 : i32
        %ne3A_489 = arith.cmpi ne, %sign3A_481, %sign3A_488 : i32
        %rem3A_490 = arith.remsi %add3A_472, %jit3A_473 : i32
        %ne3A_491 = arith.constant 0 : i32
        %ne3A_492 = arith.cmpi ne, %rem3A_490, %ne3A_491 : i32
        %and3A_493 = arith.andi %ne3A_489, %ne3A_492 : i1
        %sub3A_494 = arith.constant 1 : i32
        %sub3A_495 = arith.subi %div3A_474, %sub3A_494 : i32
        %select_n3A_496 = arith.select %and3A_493, %sub3A_495, %div3A_474 : i32
        %jit3A_497 = arith.constant 128 : i32
        %eq3A_498 = arith.constant 0 : i32
        %eq3A_499 = arith.cmpi eq, %jit3A_497, %eq3A_498 : i32
        %jit3A_500 = arith.constant 1 : i32
        %select_n3A_501 = arith.select %eq3A_499, %jit3A_500, %jit3A_497 : i32
        %rem3A_502 = arith.remsi %add3A_472, %select_n3A_501 : i32
        %ne3A_503 = arith.constant 0 : i32
        %ne3A_504 = arith.cmpi ne, %rem3A_502, %ne3A_503 : i32
        %lt3A_505 = arith.constant 0 : i32
        %lt3A_506 = arith.cmpi slt, %rem3A_502, %lt3A_505 : i32
        %lt3A_507 = arith.constant 0 : i32
        %lt3A_508 = arith.cmpi slt, %select_n3A_501, %lt3A_507 : i32
        %ne3A_509 = arith.xori %lt3A_506, %lt3A_508 : i1
        %and3A_510 = arith.andi %ne3A_509, %ne3A_504 : i1
        %add3A_511 = arith.addi %rem3A_502, %select_n3A_501 : i32
        %select_n3A_512 = arith.select %and3A_510, %add3A_511, %rem3A_502 : i32
        %dma_start3A_513 = arith.constant 0 : i32
        %dma_start3A_514 = arith.constant 0 : i32
        %dma_start3A_515 = tpu.memref_slice %arg5[%dma_start3A_513, %dma_start3A_514] : memref<2x128xi32, #tpu.memory_space<vmem>> -> memref<1x128xi32, #tpu.memory_space<vmem>>
        %dma_start3A_516 = tpu.memref_squeeze %dma_start3A_515 : memref<1x128xi32, #tpu.memory_space<vmem>> -> memref<128xi32, #tpu.memory_space<vmem>>
        %dma_start3A_517 = arith.constant 0 : i32
        %dma_start3A_518 = tpu.memref_slice %arg2[%select_n3A_496, %select_n3A_512, %dma_start3A_517] : memref<50x128x128xi32, #tpu.memory_space<hbm>> -> memref<1x1x128xi32, #tpu.memory_space<hbm>>
        %dma_start3A_519 = tpu.memref_squeeze %dma_start3A_518 : memref<1x1x128xi32, #tpu.memory_space<hbm>> -> memref<128xi32, #tpu.memory_space<hbm>>
        %dma_start3A_520 = arith.constant 0 : i32
        %dma_start3A_521 = tpu.memref_slice %arg5[%dma_start3A_513, %dma_start3A_520] : memref<2x128xi32, #tpu.memory_space<vmem>> -> memref<1x128xi32, #tpu.memory_space<vmem>>
        %dma_start3A_522 = tpu.memref_squeeze %dma_start3A_521 : memref<1x128xi32, #tpu.memory_space<vmem>> -> memref<128xi32, #tpu.memory_space<vmem>>
        %dma_start3A_523 = arith.constant 0 : i32
        %dma_start3A_524 = tpu.memref_slice %arg2[%select_n3A_496, %select_n3A_512, %dma_start3A_523] : memref<50x128x128xi32, #tpu.memory_space<hbm>> -> memref<1x1x128xi32, #tpu.memory_space<hbm>>
        %dma_start3A_525 = tpu.memref_squeeze %dma_start3A_524 : memref<1x1x128xi32, #tpu.memory_space<hbm>> -> memref<128xi32, #tpu.memory_space<hbm>>
        tpu.enqueue_dma source(%dma_start3A_525 : memref<128xi32, #tpu.memory_space<hbm>>) target(%dma_start3A_522 : memref<128xi32, #tpu.memory_space<vmem>>) target_semaphore(%arg12 : memref<!tpu.dma_semaphore, #tpu.memory_space<semaphore_mem>>)
      } else {
      }
      %gt3A = arith.constant 0 : i32
      %gt3A_301 = arith.cmpi sgt, %scan3A_274, %gt3A : i32
      %convert_element_type3A_302 = arith.extui %gt3A_301 : i1 to i32
      %cond3A_303 = arith.constant 0 : i32
      %cond3A_304 = arith.cmpi ne, %convert_element_type3A_302, %cond3A_303 : i32
      scf.if %cond3A_304 {
        %jit3A_471 = arith.constant 128 : i32
        %div3A_472 = arith.divsi %add3A_279, %jit3A_471 : i32
        %sign3A_473 = arith.constant 0 : i32
        %sign3A_474 = arith.cmpi sgt, %add3A_279, %sign3A_473 : i32
        %sign3A_475 = arith.extui %sign3A_474 : i1 to i32
        %sign3A_476 = arith.constant 0 : i32
        %sign3A_477 = arith.cmpi slt, %add3A_279, %sign3A_476 : i32
        %sign3A_478 = arith.extui %sign3A_477 : i1 to i32
        %sign3A_479 = arith.subi %sign3A_475, %sign3A_478 : i32
        %sign3A_480 = arith.constant 0 : i32
        %sign3A_481 = arith.cmpi sgt, %jit3A_471, %sign3A_480 : i32
        %sign3A_482 = arith.extui %sign3A_481 : i1 to i32
        %sign3A_483 = arith.constant 0 : i32
        %sign3A_484 = arith.cmpi slt, %jit3A_471, %sign3A_483 : i32
        %sign3A_485 = arith.extui %sign3A_484 : i1 to i32
        %sign3A_486 = arith.subi %sign3A_482, %sign3A_485 : i32
        %ne3A_487 = arith.cmpi ne, %sign3A_479, %sign3A_486 : i32
        %rem3A_488 = arith.remsi %add3A_279, %jit3A_471 : i32
        %ne3A_489 = arith.constant 0 : i32
        %ne3A_490 = arith.cmpi ne, %rem3A_488, %ne3A_489 : i32
        %and3A_491 = arith.andi %ne3A_487, %ne3A_490 : i1
        %sub3A_492 = arith.constant 1 : i32
        %sub3A_493 = arith.subi %div3A_472, %sub3A_492 : i32
        %select_n3A_494 = arith.select %and3A_491, %sub3A_493, %div3A_472 : i32
        %jit3A_495 = arith.constant 128 : i32
        %eq3A_496 = arith.constant 0 : i32
        %eq3A_497 = arith.cmpi eq, %jit3A_495, %eq3A_496 : i32
        %jit3A_498 = arith.constant 1 : i32
        %select_n3A_499 = arith.select %eq3A_497, %jit3A_498, %jit3A_495 : i32
        %rem3A_500 = arith.remsi %add3A_279, %select_n3A_499 : i32
        %ne3A_501 = arith.constant 0 : i32
        %ne3A_502 = arith.cmpi ne, %rem3A_500, %ne3A_501 : i32
        %lt3A_503 = arith.constant 0 : i32
        %lt3A_504 = arith.cmpi slt, %rem3A_500, %lt3A_503 : i32
        %lt3A_505 = arith.constant 0 : i32
        %lt3A_506 = arith.cmpi slt, %select_n3A_499, %lt3A_505 : i32
        %ne3A_507 = arith.xori %lt3A_504, %lt3A_506 : i1
        %and3A_508 = arith.andi %ne3A_507, %ne3A_502 : i1
        %add3A_509 = arith.addi %rem3A_500, %select_n3A_499 : i32
        %select_n3A_510 = arith.select %and3A_508, %add3A_509, %rem3A_500 : i32
        %dma_wait3A_511 = arith.constant 0 : i32
        %dma_wait3A_512 = arith.constant 0 : i32
        %dma_wait3A_513 = arith.constant 0 : i32
        %dma_wait3A_514 = arith.constant 0 : i32
        %dma_wait3A_515 = tpu.memref_slice %arg7[%dma_wait3A_511, %dma_wait3A_512, %dma_wait3A_513, %dma_wait3A_514] : memref<2x8x8x129xf32, #tpu.memory_space<vmem>> -> memref<1x8x8x128xf32, #tpu.memory_space<vmem>>
        %dma_wait3A_516 = tpu.memref_squeeze %dma_wait3A_515 : memref<1x8x8x128xf32, #tpu.memory_space<vmem>> -> memref<8x8x128xf32, #tpu.memory_space<vmem>>
        %dma_wait3A_517 = arith.constant 0 : i32
        %dma_wait3A_518 = arith.constant 0 : i32
        %dma_wait3A_519 = arith.constant 0 : i32
        %dma_wait3A_520 = tpu.memref_slice %arg4[%select_n3A_494, %dma_wait3A_517, %select_n3A_510, %dma_wait3A_518, %dma_wait3A_519] : memref<50x8x128x8x128xf32, #tpu.memory_space<hbm>> -> memref<1x8x1x8x128xf32, #tpu.memory_space<hbm>>
        %dma_wait3A_521 = tpu.memref_squeeze %dma_wait3A_520 : memref<1x8x1x8x128xf32, #tpu.memory_space<hbm>> -> memref<8x8x128xf32, #tpu.memory_space<hbm>>
        %dma_wait3A_522 = arith.constant 0 : i32
        %dma_wait3A_523 = arith.constant 0 : i32
        %dma_wait3A_524 = arith.constant 0 : i32
        %dma_wait3A_525 = tpu.memref_slice %arg4[%select_n3A_494, %dma_wait3A_522, %select_n3A_510, %dma_wait3A_523, %dma_wait3A_524] : memref<50x8x128x8x128xf32, #tpu.memory_space<hbm>> -> memref<1x8x1x8x128xf32, #tpu.memory_space<hbm>>
        %dma_wait3A_526 = tpu.memref_squeeze %dma_wait3A_525 : memref<1x8x1x8x128xf32, #tpu.memory_space<hbm>> -> memref<8x8x128xf32, #tpu.memory_space<hbm>>
        %dma_wait3A_527 = arith.constant 0 : i32
        %dma_wait3A_528 = arith.constant 0 : i32
        %dma_wait3A_529 = arith.constant 0 : i32
        %dma_wait3A_530 = tpu.memref_slice %arg7[%dma_wait3A_511, %dma_wait3A_527, %dma_wait3A_528, %dma_wait3A_529] : memref<2x8x8x129xf32, #tpu.memory_space<vmem>> -> memref<1x8x8x128xf32, #tpu.memory_space<vmem>>
        %dma_wait3A_531 = tpu.memref_squeeze %dma_wait3A_530 : memref<1x8x8x128xf32, #tpu.memory_space<vmem>> -> memref<8x8x128xf32, #tpu.memory_space<vmem>>
        tpu.wait_dma2 semaphore(%arg10 : memref<!tpu.dma_semaphore, #tpu.memory_space<semaphore_mem>>) src(%dma_wait3A_531 : memref<8x8x128xf32, #tpu.memory_space<vmem>>) dst(%dma_wait3A_526 : memref<8x8x128xf32, #tpu.memory_space<hbm>>)
      } else {
      }
      %parallel_loop3A = arith.constant 0 : i32
      %parallel_loop3A_305 = arith.constant 128 : i32
      %parallel_loop3A_306 = arith.constant 1 : i32
      scf.for %parallel_loop3A_471 = %parallel_loop3A to %parallel_loop3A_305 step %parallel_loop3A_306  : i32 {
        %parallel_loop3A_472 = arith.constant 0 : i32
        %parallel_loop3A_473 = vector.broadcast %parallel_loop3A_472 : i32 to vector<16xi32>
        %parallel_loop3A_474 = vector.broadcast %parallel_loop3A_471 : i32 to vector<16xi32>
        %parallel_loop3A_475 = arith.addi %parallel_loop3A_473, %parallel_loop3A_474 : vector<16xi32>
        %parallel_loop3A_476 = arith.constant 0 : i32
        %parallel_loop3A_477 = arith.constant 0 : i32
        %parallel_loop3A_478 = arith.constant 0 : i32
        %parallel_loop3A_479 = tpu.memref_slice %arg6[%parallel_loop3A_476, %parallel_loop3A_477, %parallel_loop3A_478] : memref<2x128x64xf32, #tpu.memory_space<vmem>> -> memref<1x128x64xf32, #tpu.memory_space<vmem>>
        %parallel_loop3A_480 = tpu.memref_squeeze %parallel_loop3A_479 : memref<1x128x64xf32, #tpu.memory_space<vmem>> -> memref<128x64xf32, #tpu.memory_space<vmem>>
        %parallel_loop3A_481 = tpu.vector_load_idx %parallel_loop3A_480[%parallel_loop3A_475, %add3A_5] : memref<128x64xf32, #tpu.memory_space<vmem>>[vector<16xi32>, vector<16xi32>], vector<16xf32>,
        %parallel_loop3A_482 = arith.constant 0 : i32
        %parallel_loop3A_483 = arith.constant 0 : i32
        %parallel_loop3A_484 = arith.constant 0 : i32
        %parallel_loop3A_485 = arith.constant 0 : i32
        %parallel_loop3A_486 = tpu.memref_slice %arg7[%parallel_loop3A_482, %parallel_loop3A_483, %parallel_loop3A_484, %parallel_loop3A_485] : memref<2x8x8x129xf32, #tpu.memory_space<vmem>> -> memref<1x8x8x129xf32, #tpu.memory_space<vmem>>
        %parallel_loop3A_487 = tpu.memref_squeeze %parallel_loop3A_486 : memref<1x8x8x129xf32, #tpu.memory_space<vmem>> -> memref<8x8x129xf32, #tpu.memory_space<vmem>>
        tpu.vector_store_idx %parallel_loop3A_487[%shift_right_arithmetic3A_16, %and3A_27, %parallel_loop3A_475], %parallel_loop3A_481 : memref<8x8x129xf32, #tpu.memory_space<vmem>>[vector<16xi32>, vector<16xi32>, vector<16xi32>], vector<16xf32>,
        %parallel_loop3A_488 = arith.constant 0 : i32
        %parallel_loop3A_489 = arith.constant 0 : i32
        %parallel_loop3A_490 = arith.constant 0 : i32
        %parallel_loop3A_491 = tpu.memref_slice %arg6[%parallel_loop3A_488, %parallel_loop3A_489, %parallel_loop3A_490] : memref<2x128x64xf32, #tpu.memory_space<vmem>> -> memref<1x128x64xf32, #tpu.memory_space<vmem>>
        %parallel_loop3A_492 = tpu.memref_squeeze %parallel_loop3A_491 : memref<1x128x64xf32, #tpu.memory_space<vmem>> -> memref<128x64xf32, #tpu.memory_space<vmem>>
        %parallel_loop3A_493 = tpu.vector_load_idx %parallel_loop3A_492[%parallel_loop3A_475, %add3A_8] : memref<128x64xf32, #tpu.memory_space<vmem>>[vector<16xi32>, vector<16xi32>], vector<16xf32>,
        %parallel_loop3A_494 = arith.constant 0 : i32
        %parallel_loop3A_495 = arith.constant 0 : i32
        %parallel_loop3A_496 = arith.constant 0 : i32
        %parallel_loop3A_497 = arith.constant 0 : i32
        %parallel_loop3A_498 = tpu.memref_slice %arg7[%parallel_loop3A_494, %parallel_loop3A_495, %parallel_loop3A_496, %parallel_loop3A_497] : memref<2x8x8x129xf32, #tpu.memory_space<vmem>> -> memref<1x8x8x129xf32, #tpu.memory_space<vmem>>
        %parallel_loop3A_499 = tpu.memref_squeeze %parallel_loop3A_498 : memref<1x8x8x129xf32, #tpu.memory_space<vmem>> -> memref<8x8x129xf32, #tpu.memory_space<vmem>>
        tpu.vector_store_idx %parallel_loop3A_499[%shift_right_arithmetic3A_19, %and3A_30, %parallel_loop3A_475], %parallel_loop3A_493 : memref<8x8x129xf32, #tpu.memory_space<vmem>>[vector<16xi32>, vector<16xi32>, vector<16xi32>], vector<16xf32>,
        %parallel_loop3A_500 = arith.constant 0 : i32
        %parallel_loop3A_501 = arith.constant 0 : i32
        %parallel_loop3A_502 = arith.constant 0 : i32
        %parallel_loop3A_503 = tpu.memref_slice %arg6[%parallel_loop3A_500, %parallel_loop3A_501, %parallel_loop3A_502] : memref<2x128x64xf32, #tpu.memory_space<vmem>> -> memref<1x128x64xf32, #tpu.memory_space<vmem>>
        %parallel_loop3A_504 = tpu.memref_squeeze %parallel_loop3A_503 : memref<1x128x64xf32, #tpu.memory_space<vmem>> -> memref<128x64xf32, #tpu.memory_space<vmem>>
        %parallel_loop3A_505 = tpu.vector_load_idx %parallel_loop3A_504[%parallel_loop3A_475, %add3A_11] : memref<128x64xf32, #tpu.memory_space<vmem>>[vector<16xi32>, vector<16xi32>], vector<16xf32>,
        %parallel_loop3A_506 = arith.constant 0 : i32
        %parallel_loop3A_507 = arith.constant 0 : i32
        %parallel_loop3A_508 = arith.constant 0 : i32
        %parallel_loop3A_509 = arith.constant 0 : i32
        %parallel_loop3A_510 = tpu.memref_slice %arg7[%parallel_loop3A_506, %parallel_loop3A_507, %parallel_loop3A_508, %parallel_loop3A_509] : memref<2x8x8x129xf32, #tpu.memory_space<vmem>> -> memref<1x8x8x129xf32, #tpu.memory_space<vmem>>
        %parallel_loop3A_511 = tpu.memref_squeeze %parallel_loop3A_510 : memref<1x8x8x129xf32, #tpu.memory_space<vmem>> -> memref<8x8x129xf32, #tpu.memory_space<vmem>>
        tpu.vector_store_idx %parallel_loop3A_511[%shift_right_arithmetic3A_22, %and3A_33, %parallel_loop3A_475], %parallel_loop3A_505 : memref<8x8x129xf32, #tpu.memory_space<vmem>>[vector<16xi32>, vector<16xi32>, vector<16xi32>], vector<16xf32>,
        %parallel_loop3A_512 = arith.constant 0 : i32
        %parallel_loop3A_513 = arith.constant 0 : i32
        %parallel_loop3A_514 = arith.constant 0 : i32
        %parallel_loop3A_515 = tpu.memref_slice %arg6[%parallel_loop3A_512, %parallel_loop3A_513, %parallel_loop3A_514] : memref<2x128x64xf32, #tpu.memory_space<vmem>> -> memref<1x128x64xf32, #tpu.memory_space<vmem>>
        %parallel_loop3A_516 = tpu.memref_squeeze %parallel_loop3A_515 : memref<1x128x64xf32, #tpu.memory_space<vmem>> -> memref<128x64xf32, #tpu.memory_space<vmem>>
        %parallel_loop3A_517 = tpu.vector_load_idx %parallel_loop3A_516[%parallel_loop3A_475, %add3A_14] : memref<128x64xf32, #tpu.memory_space<vmem>>[vector<16xi32>, vector<16xi32>], vector<16xf32>,
        %parallel_loop3A_518 = arith.constant 0 : i32
        %parallel_loop3A_519 = arith.constant 0 : i32
        %parallel_loop3A_520 = arith.constant 0 : i32
        %parallel_loop3A_521 = arith.constant 0 : i32
        %parallel_loop3A_522 = tpu.memref_slice %arg7[%parallel_loop3A_518, %parallel_loop3A_519, %parallel_loop3A_520, %parallel_loop3A_521] : memref<2x8x8x129xf32, #tpu.memory_space<vmem>> -> memref<1x8x8x129xf32, #tpu.memory_space<vmem>>
        %parallel_loop3A_523 = tpu.memref_squeeze %parallel_loop3A_522 : memref<1x8x8x129xf32, #tpu.memory_space<vmem>> -> memref<8x8x129xf32, #tpu.memory_space<vmem>>
        tpu.vector_store_idx %parallel_loop3A_523[%shift_right_arithmetic3A_25, %and3A_36, %parallel_loop3A_475], %parallel_loop3A_517 : memref<8x8x129xf32, #tpu.memory_space<vmem>>[vector<16xi32>, vector<16xi32>, vector<16xi32>], vector<16xf32>,
      } {sc.loop_unroll_factor = 4 : i64, sc.parallel_access}
      %jit3A_307 = arith.constant 128 : i32
      %div3A_308 = arith.divsi %add3A_279, %jit3A_307 : i32
      %sign3A_309 = arith.constant 0 : i32
      %sign3A_310 = arith.cmpi sgt, %add3A_279, %sign3A_309 : i32
      %sign3A_311 = arith.extui %sign3A_310 : i1 to i32
      %sign3A_312 = arith.constant 0 : i32
      %sign3A_313 = arith.cmpi slt, %add3A_279, %sign3A_312 : i32
      %sign3A_314 = arith.extui %sign3A_313 : i1 to i32
      %sign3A_315 = arith.subi %sign3A_311, %sign3A_314 : i32
      %sign3A_316 = arith.constant 0 : i32
      %sign3A_317 = arith.cmpi sgt, %jit3A_307, %sign3A_316 : i32
      %sign3A_318 = arith.extui %sign3A_317 : i1 to i32
      %sign3A_319 = arith.constant 0 : i32
      %sign3A_320 = arith.cmpi slt, %jit3A_307, %sign3A_319 : i32
      %sign3A_321 = arith.extui %sign3A_320 : i1 to i32
      %sign3A_322 = arith.subi %sign3A_318, %sign3A_321 : i32
      %ne3A_323 = arith.cmpi ne, %sign3A_315, %sign3A_322 : i32
      %rem3A_324 = arith.remsi %add3A_279, %jit3A_307 : i32
      %ne3A_325 = arith.constant 0 : i32
      %ne3A_326 = arith.cmpi ne, %rem3A_324, %ne3A_325 : i32
      %and3A_327 = arith.andi %ne3A_323, %ne3A_326 : i1
      %sub3A_328 = arith.constant 1 : i32
      %sub3A_329 = arith.subi %div3A_308, %sub3A_328 : i32
      %select_n3A_330 = arith.select %and3A_327, %sub3A_329, %div3A_308 : i32
      %jit3A_331 = arith.constant 128 : i32
      %eq3A_332 = arith.constant 0 : i32
      %eq3A_333 = arith.cmpi eq, %jit3A_331, %eq3A_332 : i32
      %jit3A_334 = arith.constant 1 : i32
      %select_n3A_335 = arith.select %eq3A_333, %jit3A_334, %jit3A_331 : i32
      %rem3A_336 = arith.remsi %add3A_279, %select_n3A_335 : i32
      %ne3A_337 = arith.constant 0 : i32
      %ne3A_338 = arith.cmpi ne, %rem3A_336, %ne3A_337 : i32
      %lt3A_339 = arith.constant 0 : i32
      %lt3A_340 = arith.cmpi slt, %rem3A_336, %lt3A_339 : i32
      %lt3A_341 = arith.constant 0 : i32
      %lt3A_342 = arith.cmpi slt, %select_n3A_335, %lt3A_341 : i32
      %ne3A_343 = arith.xori %lt3A_340, %lt3A_342 : i1
      %and3A_344 = arith.andi %ne3A_343, %ne3A_338 : i1
      %add3A_345 = arith.addi %rem3A_336, %select_n3A_335 : i32
      %select_n3A_346 = arith.select %and3A_344, %add3A_345, %rem3A_336 : i32
      %dma_start3A_347 = arith.constant 0 : i32
      %dma_start3A_348 = arith.constant 0 : i32
      %dma_start3A_349 = arith.constant 0 : i32
      %dma_start3A_350 = arith.constant 0 : i32
      %dma_start3A_351 = tpu.memref_slice %arg7[%dma_start3A_347, %dma_start3A_348, %dma_start3A_349, %dma_start3A_350] : memref<2x8x8x129xf32, #tpu.memory_space<vmem>> -> memref<1x8x8x128xf32, #tpu.memory_space<vmem>>
      %dma_start3A_352 = tpu.memref_squeeze %dma_start3A_351 : memref<1x8x8x128xf32, #tpu.memory_space<vmem>> -> memref<8x8x128xf32, #tpu.memory_space<vmem>>
      %dma_start3A_353 = arith.constant 0 : i32
      %dma_start3A_354 = arith.constant 0 : i32
      %dma_start3A_355 = arith.constant 0 : i32
      %dma_start3A_356 = tpu.memref_slice %arg4[%select_n3A_330, %dma_start3A_353, %select_n3A_346, %dma_start3A_354, %dma_start3A_355] : memref<50x8x128x8x128xf32, #tpu.memory_space<hbm>> -> memref<1x8x1x8x128xf32, #tpu.memory_space<hbm>>
      %dma_start3A_357 = tpu.memref_squeeze %dma_start3A_356 : memref<1x8x1x8x128xf32, #tpu.memory_space<hbm>> -> memref<8x8x128xf32, #tpu.memory_space<hbm>>
      %dma_start3A_358 = arith.constant 0 : i32
      %dma_start3A_359 = arith.constant 0 : i32
      %dma_start3A_360 = arith.constant 0 : i32
      %dma_start3A_361 = tpu.memref_slice %arg4[%select_n3A_330, %dma_start3A_358, %select_n3A_346, %dma_start3A_359, %dma_start3A_360] : memref<50x8x128x8x128xf32, #tpu.memory_space<hbm>> -> memref<1x8x1x8x128xf32, #tpu.memory_space<hbm>>
      %dma_start3A_362 = tpu.memref_squeeze %dma_start3A_361 : memref<1x8x1x8x128xf32, #tpu.memory_space<hbm>> -> memref<8x8x128xf32, #tpu.memory_space<hbm>>
      %dma_start3A_363 = arith.constant 0 : i32
      %dma_start3A_364 = arith.constant 0 : i32
      %dma_start3A_365 = arith.constant 0 : i32
      %dma_start3A_366 = tpu.memref_slice %arg7[%dma_start3A_347, %dma_start3A_363, %dma_start3A_364, %dma_start3A_365] : memref<2x8x8x129xf32, #tpu.memory_space<vmem>> -> memref<1x8x8x128xf32, #tpu.memory_space<vmem>>
      %dma_start3A_367 = tpu.memref_squeeze %dma_start3A_366 : memref<1x8x8x128xf32, #tpu.memory_space<vmem>> -> memref<8x8x128xf32, #tpu.memory_space<vmem>>
      tpu.enqueue_dma source(%dma_start3A_367 : memref<8x8x128xf32, #tpu.memory_space<vmem>>) target(%dma_start3A_362 : memref<8x8x128xf32, #tpu.memory_space<hbm>>) target_semaphore(%arg10 : memref<!tpu.dma_semaphore, #tpu.memory_space<semaphore_mem>>)
      %convert_element_type3A_368 = arith.extui %lt3A_287 : i1 to i32
      %cond3A_369 = arith.constant 0 : i32
      %cond3A_370 = arith.cmpi ne, %convert_element_type3A_368, %cond3A_369 : i32
      scf.if %cond3A_370 {
        %add3A_471 = arith.constant 2 : i32
        %add3A_472 = arith.addi %add3A_279, %add3A_471 : i32
        %jit3A_473 = arith.constant 128 : i32
        %div3A_474 = arith.divsi %add3A_472, %jit3A_473 : i32
        %sign3A_475 = arith.constant 0 : i32
        %sign3A_476 = arith.cmpi sgt, %add3A_472, %sign3A_475 : i32
        %sign3A_477 = arith.extui %sign3A_476 : i1 to i32
        %sign3A_478 = arith.constant 0 : i32
        %sign3A_479 = arith.cmpi slt, %add3A_472, %sign3A_478 : i32
        %sign3A_480 = arith.extui %sign3A_479 : i1 to i32
        %sign3A_481 = arith.subi %sign3A_477, %sign3A_480 : i32
        %sign3A_482 = arith.constant 0 : i32
        %sign3A_483 = arith.cmpi sgt, %jit3A_473, %sign3A_482 : i32
        %sign3A_484 = arith.extui %sign3A_483 : i1 to i32
        %sign3A_485 = arith.constant 0 : i32
        %sign3A_486 = arith.cmpi slt, %jit3A_473, %sign3A_485 : i32
        %sign3A_487 = arith.extui %sign3A_486 : i1 to i32
        %sign3A_488 = arith.subi %sign3A_484, %sign3A_487 : i32
        %ne3A_489 = arith.cmpi ne, %sign3A_481, %sign3A_488 : i32
        %rem3A_490 = arith.remsi %add3A_472, %jit3A_473 : i32
        %ne3A_491 = arith.constant 0 : i32
        %ne3A_492 = arith.cmpi ne, %rem3A_490, %ne3A_491 : i32
        %and3A_493 = arith.andi %ne3A_489, %ne3A_492 : i1
        %sub3A_494 = arith.constant 1 : i32
        %sub3A_495 = arith.subi %div3A_474, %sub3A_494 : i32
        %select_n3A_496 = arith.select %and3A_493, %sub3A_495, %div3A_474 : i32
        %jit3A_497 = arith.constant 128 : i32
        %eq3A_498 = arith.constant 0 : i32
        %eq3A_499 = arith.cmpi eq, %jit3A_497, %eq3A_498 : i32
        %jit3A_500 = arith.constant 1 : i32
        %select_n3A_501 = arith.select %eq3A_499, %jit3A_500, %jit3A_497 : i32
        %rem3A_502 = arith.remsi %add3A_472, %select_n3A_501 : i32
        %ne3A_503 = arith.constant 0 : i32
        %ne3A_504 = arith.cmpi ne, %rem3A_502, %ne3A_503 : i32
        %lt3A_505 = arith.constant 0 : i32
        %lt3A_506 = arith.cmpi slt, %rem3A_502, %lt3A_505 : i32
        %lt3A_507 = arith.constant 0 : i32
        %lt3A_508 = arith.cmpi slt, %select_n3A_501, %lt3A_507 : i32
        %ne3A_509 = arith.xori %lt3A_506, %lt3A_508 : i1
        %and3A_510 = arith.andi %ne3A_509, %ne3A_504 : i1
        %add3A_511 = arith.addi %rem3A_502, %select_n3A_501 : i32
        %select_n3A_512 = arith.select %and3A_510, %add3A_511, %rem3A_502 : i32
        %dma_wait3A_513 = arith.constant 0 : i32
        %dma_wait3A_514 = arith.constant 0 : i32
        %dma_wait3A_515 = tpu.memref_slice %arg5[%dma_wait3A_513, %dma_wait3A_514] : memref<2x128xi32, #tpu.memory_space<vmem>> -> memref<1x128xi32, #tpu.memory_space<vmem>>
        %dma_wait3A_516 = tpu.memref_squeeze %dma_wait3A_515 : memref<1x128xi32, #tpu.memory_space<vmem>> -> memref<128xi32, #tpu.memory_space<vmem>>
        %dma_wait3A_517 = arith.constant 0 : i32
        %dma_wait3A_518 = tpu.memref_slice %arg2[%select_n3A_496, %select_n3A_512, %dma_wait3A_517] : memref<50x128x128xi32, #tpu.memory_space<hbm>> -> memref<1x1x128xi32, #tpu.memory_space<hbm>>
        %dma_wait3A_519 = tpu.memref_squeeze %dma_wait3A_518 : memref<1x1x128xi32, #tpu.memory_space<hbm>> -> memref<128xi32, #tpu.memory_space<hbm>>
        %dma_wait3A_520 = arith.constant 0 : i32
        %dma_wait3A_521 = tpu.memref_slice %arg5[%dma_wait3A_513, %dma_wait3A_520] : memref<2x128xi32, #tpu.memory_space<vmem>> -> memref<1x128xi32, #tpu.memory_space<vmem>>
        %dma_wait3A_522 = tpu.memref_squeeze %dma_wait3A_521 : memref<1x128xi32, #tpu.memory_space<vmem>> -> memref<128xi32, #tpu.memory_space<vmem>>
        %dma_wait3A_523 = arith.constant 0 : i32
        %dma_wait3A_524 = tpu.memref_slice %arg2[%select_n3A_496, %select_n3A_512, %dma_wait3A_523] : memref<50x128x128xi32, #tpu.memory_space<hbm>> -> memref<1x1x128xi32, #tpu.memory_space<hbm>>
        %dma_wait3A_525 = tpu.memref_squeeze %dma_wait3A_524 : memref<1x1x128xi32, #tpu.memory_space<hbm>> -> memref<128xi32, #tpu.memory_space<hbm>>
        tpu.wait_dma2 semaphore(%arg12 : memref<!tpu.dma_semaphore, #tpu.memory_space<semaphore_mem>>) src(%dma_wait3A_525 : memref<128xi32, #tpu.memory_space<hbm>>) dst(%dma_wait3A_522 : memref<128xi32, #tpu.memory_space<vmem>>)
        %dma_start3A_526 = arith.constant 0 : i32
        %dma_start3A_527 = arith.constant 0 : i32
        %dma_start3A_528 = arith.constant 0 : i32
        %dma_start3A_529 = arith.constant 0 : i32
        %dma_start3A_530 = tpu.memref_slice %arg6[%dma_start3A_527, %dma_start3A_528, %dma_start3A_529] : memref<2x128x64xf32, #tpu.memory_space<vmem>> -> memref<1x128x64xf32, #tpu.memory_space<vmem>>
        %dma_start3A_531 = tpu.memref_squeeze %dma_start3A_530 : memref<1x128x64xf32, #tpu.memory_space<vmem>> -> memref<128x64xf32, #tpu.memory_space<vmem>>
        %dma_start3A_532 = arith.constant 0 : i32
        %dma_start3A_533 = tpu.memref_slice %arg5[%dma_start3A_526, %dma_start3A_532] : memref<2x128xi32, #tpu.memory_space<vmem>> -> memref<1x128xi32, #tpu.memory_space<vmem>>
        %dma_start3A_534 = tpu.memref_squeeze %dma_start3A_533 : memref<1x128xi32, #tpu.memory_space<vmem>> -> memref<128xi32, #tpu.memory_space<vmem>>
        %dma_start3A_535 = arith.constant 0 : i32
        %dma_start3A_536 = arith.constant 0 : i32
        %dma_start3A_537 = tpu.memref_slice %arg3[%dma_start3A_535, %dma_start3A_536] : memref<2000000x64xf32, #tpu.memory_space<hbm>> -> memref<2000000x64xf32, #tpu.memory_space<hbm>>
        tpu.enqueue_indirect_dma source(%dma_start3A_537 : memref<2000000x64xf32, #tpu.memory_space<hbm>>) target(%dma_start3A_531 : memref<128x64xf32, #tpu.memory_space<vmem>>) offsets(%dma_start3A_534 : memref<128xi32, #tpu.memory_space<vmem>>) semaphore(%arg8 : memref<!tpu.dma_semaphore, #tpu.memory_space<semaphore_mem>>)
      } else {
      }
      %mul3A_371 = arith.constant 2 : i32
      %mul3A_372 = arith.muli %mul3A_371, %scan3A_274 : i32
      %add3A_373 = arith.addi %mul3A_2, %mul3A_372 : i32
      %add3A_374 = arith.constant 1 : i32
      %add3A_375 = arith.addi %add3A_373, %add3A_374 : i32
      %mul3A_376 = arith.constant 2 : i32
      %mul3A_377 = arith.muli %mul3A_376, %scan3A_274 : i32
      %add3A_378 = arith.constant 1 : i32
      %add3A_379 = arith.addi %mul3A_377, %add3A_378 : i32
      %add3A_380 = arith.constant 2 : i32
      %add3A_381 = arith.addi %add3A_379, %add3A_380 : i32
      %lt3A_382 = arith.constant 200 : i32
      %lt3A_383 = arith.cmpi slt, %add3A_381, %lt3A_382 : i32
      %dma_wait3A_384 = arith.constant 1 : i32
      %dma_wait3A_385 = arith.constant 1 : i32
      %dma_wait3A_386 = arith.constant 0 : i32
      %dma_wait3A_387 = arith.constant 0 : i32
      %dma_wait3A_388 = tpu.memref_slice %arg6[%dma_wait3A_385, %dma_wait3A_386, %dma_wait3A_387] : memref<2x128x64xf32, #tpu.memory_space<vmem>> -> memref<1x128x64xf32, #tpu.memory_space<vmem>>
      %dma_wait3A_389 = tpu.memref_squeeze %dma_wait3A_388 : memref<1x128x64xf32, #tpu.memory_space<vmem>> -> memref<128x64xf32, #tpu.memory_space<vmem>>
      %dma_wait3A_390 = arith.constant 0 : i32
      %dma_wait3A_391 = tpu.memref_slice %arg5[%dma_wait3A_384, %dma_wait3A_390] : memref<2x128xi32, #tpu.memory_space<vmem>> -> memref<1x128xi32, #tpu.memory_space<vmem>>
      %dma_wait3A_392 = tpu.memref_squeeze %dma_wait3A_391 : memref<1x128xi32, #tpu.memory_space<vmem>> -> memref<128xi32, #tpu.memory_space<vmem>>
      %dma_wait3A_393 = arith.constant 0 : i32
      %dma_wait3A_394 = arith.constant 0 : i32
      %dma_wait3A_395 = tpu.memref_slice %arg3[%dma_wait3A_393, %dma_wait3A_394] : memref<2000000x64xf32, #tpu.memory_space<hbm>> -> memref<2000000x64xf32, #tpu.memory_space<hbm>>
      tpu.wait_indirect_dma semaphore(%arg9 : memref<!tpu.dma_semaphore, #tpu.memory_space<semaphore_mem>>) src(%dma_wait3A_395 : memref<2000000x64xf32, #tpu.memory_space<hbm>>) dst(%dma_wait3A_389 : memref<128x64xf32, #tpu.memory_space<vmem>>)
      %convert_element_type3A_396 = arith.extui %lt3A_383 : i1 to i32
      %cond3A_397 = arith.constant 0 : i32
      %cond3A_398 = arith.cmpi ne, %convert_element_type3A_396, %cond3A_397 : i32
      scf.if %cond3A_398 {
        %add3A_471 = arith.constant 2 : i32
        %add3A_472 = arith.addi %add3A_375, %add3A_471 : i32
        %jit3A_473 = arith.constant 128 : i32
        %div3A_474 = arith.divsi %add3A_472, %jit3A_473 : i32
        %sign3A_475 = arith.constant 0 : i32
        %sign3A_476 = arith.cmpi sgt, %add3A_472, %sign3A_475 : i32
        %sign3A_477 = arith.extui %sign3A_476 : i1 to i32
        %sign3A_478 = arith.constant 0 : i32
        %sign3A_479 = arith.cmpi slt, %add3A_472, %sign3A_478 : i32
        %sign3A_480 = arith.extui %sign3A_479 : i1 to i32
        %sign3A_481 = arith.subi %sign3A_477, %sign3A_480 : i32
        %sign3A_482 = arith.constant 0 : i32
        %sign3A_483 = arith.cmpi sgt, %jit3A_473, %sign3A_482 : i32
        %sign3A_484 = arith.extui %sign3A_483 : i1 to i32
        %sign3A_485 = arith.constant 0 : i32
        %sign3A_486 = arith.cmpi slt, %jit3A_473, %sign3A_485 : i32
        %sign3A_487 = arith.extui %sign3A_486 : i1 to i32
        %sign3A_488 = arith.subi %sign3A_484, %sign3A_487 : i32
        %ne3A_489 = arith.cmpi ne, %sign3A_481, %sign3A_488 : i32
        %rem3A_490 = arith.remsi %add3A_472, %jit3A_473 : i32
        %ne3A_491 = arith.constant 0 : i32
        %ne3A_492 = arith.cmpi ne, %rem3A_490, %ne3A_491 : i32
        %and3A_493 = arith.andi %ne3A_489, %ne3A_492 : i1
        %sub3A_494 = arith.constant 1 : i32
        %sub3A_495 = arith.subi %div3A_474, %sub3A_494 : i32
        %select_n3A_496 = arith.select %and3A_493, %sub3A_495, %div3A_474 : i32
        %jit3A_497 = arith.constant 128 : i32
        %eq3A_498 = arith.constant 0 : i32
        %eq3A_499 = arith.cmpi eq, %jit3A_497, %eq3A_498 : i32
        %jit3A_500 = arith.constant 1 : i32
        %select_n3A_501 = arith.select %eq3A_499, %jit3A_500, %jit3A_497 : i32
        %rem3A_502 = arith.remsi %add3A_472, %select_n3A_501 : i32
        %ne3A_503 = arith.constant 0 : i32
        %ne3A_504 = arith.cmpi ne, %rem3A_502, %ne3A_503 : i32
        %lt3A_505 = arith.constant 0 : i32
        %lt3A_506 = arith.cmpi slt, %rem3A_502, %lt3A_505 : i32
        %lt3A_507 = arith.constant 0 : i32
        %lt3A_508 = arith.cmpi slt, %select_n3A_501, %lt3A_507 : i32
        %ne3A_509 = arith.xori %lt3A_506, %lt3A_508 : i1
        %and3A_510 = arith.andi %ne3A_509, %ne3A_504 : i1
        %add3A_511 = arith.addi %rem3A_502, %select_n3A_501 : i32
        %select_n3A_512 = arith.select %and3A_510, %add3A_511, %rem3A_502 : i32
        %dma_start3A_513 = arith.constant 1 : i32
        %dma_start3A_514 = arith.constant 0 : i32
        %dma_start3A_515 = tpu.memref_slice %arg5[%dma_start3A_513, %dma_start3A_514] : memref<2x128xi32, #tpu.memory_space<vmem>> -> memref<1x128xi32, #tpu.memory_space<vmem>>
        %dma_start3A_516 = tpu.memref_squeeze %dma_start3A_515 : memref<1x128xi32, #tpu.memory_space<vmem>> -> memref<128xi32, #tpu.memory_space<vmem>>
        %dma_start3A_517 = arith.constant 0 : i32
        %dma_start3A_518 = tpu.memref_slice %arg2[%select_n3A_496, %select_n3A_512, %dma_start3A_517] : memref<50x128x128xi32, #tpu.memory_space<hbm>> -> memref<1x1x128xi32, #tpu.memory_space<hbm>>
        %dma_start3A_519 = tpu.memref_squeeze %dma_start3A_518 : memref<1x1x128xi32, #tpu.memory_space<hbm>> -> memref<128xi32, #tpu.memory_space<hbm>>
        %dma_start3A_520 = arith.constant 0 : i32
        %dma_start3A_521 = tpu.memref_slice %arg5[%dma_start3A_513, %dma_start3A_520] : memref<2x128xi32, #tpu.memory_space<vmem>> -> memref<1x128xi32, #tpu.memory_space<vmem>>
        %dma_start3A_522 = tpu.memref_squeeze %dma_start3A_521 : memref<1x128xi32, #tpu.memory_space<vmem>> -> memref<128xi32, #tpu.memory_space<vmem>>
        %dma_start3A_523 = arith.constant 0 : i32
        %dma_start3A_524 = tpu.memref_slice %arg2[%select_n3A_496, %select_n3A_512, %dma_start3A_523] : memref<50x128x128xi32, #tpu.memory_space<hbm>> -> memref<1x1x128xi32, #tpu.memory_space<hbm>>
        %dma_start3A_525 = tpu.memref_squeeze %dma_start3A_524 : memref<1x1x128xi32, #tpu.memory_space<hbm>> -> memref<128xi32, #tpu.memory_space<hbm>>
        tpu.enqueue_dma source(%dma_start3A_525 : memref<128xi32, #tpu.memory_space<hbm>>) target(%dma_start3A_522 : memref<128xi32, #tpu.memory_space<vmem>>) target_semaphore(%arg13 : memref<!tpu.dma_semaphore, #tpu.memory_space<semaphore_mem>>)
      } else {
      }
      %gt3A_399 = arith.constant 0 : i32
      %gt3A_400 = arith.cmpi sgt, %scan3A_274, %gt3A_399 : i32
      %convert_element_type3A_401 = arith.extui %gt3A_400 : i1 to i32
      %cond3A_402 = arith.constant 0 : i32
      %cond3A_403 = arith.cmpi ne, %convert_element_type3A_401, %cond3A_402 : i32
      scf.if %cond3A_403 {
        %jit3A_471 = arith.constant 128 : i32
        %div3A_472 = arith.divsi %add3A_375, %jit3A_471 : i32
        %sign3A_473 = arith.constant 0 : i32
        %sign3A_474 = arith.cmpi sgt, %add3A_375, %sign3A_473 : i32
        %sign3A_475 = arith.extui %sign3A_474 : i1 to i32
        %sign3A_476 = arith.constant 0 : i32
        %sign3A_477 = arith.cmpi slt, %add3A_375, %sign3A_476 : i32
        %sign3A_478 = arith.extui %sign3A_477 : i1 to i32
        %sign3A_479 = arith.subi %sign3A_475, %sign3A_478 : i32
        %sign3A_480 = arith.constant 0 : i32
        %sign3A_481 = arith.cmpi sgt, %jit3A_471, %sign3A_480 : i32
        %sign3A_482 = arith.extui %sign3A_481 : i1 to i32
        %sign3A_483 = arith.constant 0 : i32
        %sign3A_484 = arith.cmpi slt, %jit3A_471, %sign3A_483 : i32
        %sign3A_485 = arith.extui %sign3A_484 : i1 to i32
        %sign3A_486 = arith.subi %sign3A_482, %sign3A_485 : i32
        %ne3A_487 = arith.cmpi ne, %sign3A_479, %sign3A_486 : i32
        %rem3A_488 = arith.remsi %add3A_375, %jit3A_471 : i32
        %ne3A_489 = arith.constant 0 : i32
        %ne3A_490 = arith.cmpi ne, %rem3A_488, %ne3A_489 : i32
        %and3A_491 = arith.andi %ne3A_487, %ne3A_490 : i1
        %sub3A_492 = arith.constant 1 : i32
        %sub3A_493 = arith.subi %div3A_472, %sub3A_492 : i32
        %select_n3A_494 = arith.select %and3A_491, %sub3A_493, %div3A_472 : i32
        %jit3A_495 = arith.constant 128 : i32
        %eq3A_496 = arith.constant 0 : i32
        %eq3A_497 = arith.cmpi eq, %jit3A_495, %eq3A_496 : i32
        %jit3A_498 = arith.constant 1 : i32
        %select_n3A_499 = arith.select %eq3A_497, %jit3A_498, %jit3A_495 : i32
        %rem3A_500 = arith.remsi %add3A_375, %select_n3A_499 : i32
        %ne3A_501 = arith.constant 0 : i32
        %ne3A_502 = arith.cmpi ne, %rem3A_500, %ne3A_501 : i32
        %lt3A_503 = arith.constant 0 : i32
        %lt3A_504 = arith.cmpi slt, %rem3A_500, %lt3A_503 : i32
        %lt3A_505 = arith.constant 0 : i32
        %lt3A_506 = arith.cmpi slt, %select_n3A_499, %lt3A_505 : i32
        %ne3A_507 = arith.xori %lt3A_504, %lt3A_506 : i1
        %and3A_508 = arith.andi %ne3A_507, %ne3A_502 : i1
        %add3A_509 = arith.addi %rem3A_500, %select_n3A_499 : i32
        %select_n3A_510 = arith.select %and3A_508, %add3A_509, %rem3A_500 : i32
        %dma_wait3A_511 = arith.constant 1 : i32
        %dma_wait3A_512 = arith.constant 0 : i32
        %dma_wait3A_513 = arith.constant 0 : i32
        %dma_wait3A_514 = arith.constant 0 : i32
        %dma_wait3A_515 = tpu.memref_slice %arg7[%dma_wait3A_511, %dma_wait3A_512, %dma_wait3A_513, %dma_wait3A_514] : memref<2x8x8x129xf32, #tpu.memory_space<vmem>> -> memref<1x8x8x128xf32, #tpu.memory_space<vmem>>
        %dma_wait3A_516 = tpu.memref_squeeze %dma_wait3A_515 : memref<1x8x8x128xf32, #tpu.memory_space<vmem>> -> memref<8x8x128xf32, #tpu.memory_space<vmem>>
        %dma_wait3A_517 = arith.constant 0 : i32
        %dma_wait3A_518 = arith.constant 0 : i32
        %dma_wait3A_519 = arith.constant 0 : i32
        %dma_wait3A_520 = tpu.memref_slice %arg4[%select_n3A_494, %dma_wait3A_517, %select_n3A_510, %dma_wait3A_518, %dma_wait3A_519] : memref<50x8x128x8x128xf32, #tpu.memory_space<hbm>> -> memref<1x8x1x8x128xf32, #tpu.memory_space<hbm>>
        %dma_wait3A_521 = tpu.memref_squeeze %dma_wait3A_520 : memref<1x8x1x8x128xf32, #tpu.memory_space<hbm>> -> memref<8x8x128xf32, #tpu.memory_space<hbm>>
        %dma_wait3A_522 = arith.constant 0 : i32
        %dma_wait3A_523 = arith.constant 0 : i32
        %dma_wait3A_524 = arith.constant 0 : i32
        %dma_wait3A_525 = tpu.memref_slice %arg4[%select_n3A_494, %dma_wait3A_522, %select_n3A_510, %dma_wait3A_523, %dma_wait3A_524] : memref<50x8x128x8x128xf32, #tpu.memory_space<hbm>> -> memref<1x8x1x8x128xf32, #tpu.memory_space<hbm>>
        %dma_wait3A_526 = tpu.memref_squeeze %dma_wait3A_525 : memref<1x8x1x8x128xf32, #tpu.memory_space<hbm>> -> memref<8x8x128xf32, #tpu.memory_space<hbm>>
        %dma_wait3A_527 = arith.constant 0 : i32
        %dma_wait3A_528 = arith.constant 0 : i32
        %dma_wait3A_529 = arith.constant 0 : i32
        %dma_wait3A_530 = tpu.memref_slice %arg7[%dma_wait3A_511, %dma_wait3A_527, %dma_wait3A_528, %dma_wait3A_529] : memref<2x8x8x129xf32, #tpu.memory_space<vmem>> -> memref<1x8x8x128xf32, #tpu.memory_space<vmem>>
        %dma_wait3A_531 = tpu.memref_squeeze %dma_wait3A_530 : memref<1x8x8x128xf32, #tpu.memory_space<vmem>> -> memref<8x8x128xf32, #tpu.memory_space<vmem>>
        tpu.wait_dma2 semaphore(%arg11 : memref<!tpu.dma_semaphore, #tpu.memory_space<semaphore_mem>>) src(%dma_wait3A_531 : memref<8x8x128xf32, #tpu.memory_space<vmem>>) dst(%dma_wait3A_526 : memref<8x8x128xf32, #tpu.memory_space<hbm>>)
      } else {
      }
      %parallel_loop3A_404 = arith.constant 0 : i32
      %parallel_loop3A_405 = arith.constant 128 : i32
      %parallel_loop3A_406 = arith.constant 1 : i32
      scf.for %parallel_loop3A_471 = %parallel_loop3A_404 to %parallel_loop3A_405 step %parallel_loop3A_406  : i32 {
        %parallel_loop3A_472 = arith.constant 0 : i32
        %parallel_loop3A_473 = vector.broadcast %parallel_loop3A_472 : i32 to vector<16xi32>
        %parallel_loop3A_474 = vector.broadcast %parallel_loop3A_471 : i32 to vector<16xi32>
        %parallel_loop3A_475 = arith.addi %parallel_loop3A_473, %parallel_loop3A_474 : vector<16xi32>
        %parallel_loop3A_476 = arith.constant 1 : i32
        %parallel_loop3A_477 = arith.constant 0 : i32
        %parallel_loop3A_478 = arith.constant 0 : i32
        %parallel_loop3A_479 = tpu.memref_slice %arg6[%parallel_loop3A_476, %parallel_loop3A_477, %parallel_loop3A_478] : memref<2x128x64xf32, #tpu.memory_space<vmem>> -> memref<1x128x64xf32, #tpu.memory_space<vmem>>
        %parallel_loop3A_480 = tpu.memref_squeeze %parallel_loop3A_479 : memref<1x128x64xf32, #tpu.memory_space<vmem>> -> memref<128x64xf32, #tpu.memory_space<vmem>>
        %parallel_loop3A_481 = tpu.vector_load_idx %parallel_loop3A_480[%parallel_loop3A_475, %add3A_5] : memref<128x64xf32, #tpu.memory_space<vmem>>[vector<16xi32>, vector<16xi32>], vector<16xf32>,
        %parallel_loop3A_482 = arith.constant 1 : i32
        %parallel_loop3A_483 = arith.constant 0 : i32
        %parallel_loop3A_484 = arith.constant 0 : i32
        %parallel_loop3A_485 = arith.constant 0 : i32
        %parallel_loop3A_486 = tpu.memref_slice %arg7[%parallel_loop3A_482, %parallel_loop3A_483, %parallel_loop3A_484, %parallel_loop3A_485] : memref<2x8x8x129xf32, #tpu.memory_space<vmem>> -> memref<1x8x8x129xf32, #tpu.memory_space<vmem>>
        %parallel_loop3A_487 = tpu.memref_squeeze %parallel_loop3A_486 : memref<1x8x8x129xf32, #tpu.memory_space<vmem>> -> memref<8x8x129xf32, #tpu.memory_space<vmem>>
        tpu.vector_store_idx %parallel_loop3A_487[%shift_right_arithmetic3A_16, %and3A_27, %parallel_loop3A_475], %parallel_loop3A_481 : memref<8x8x129xf32, #tpu.memory_space<vmem>>[vector<16xi32>, vector<16xi32>, vector<16xi32>], vector<16xf32>,
        %parallel_loop3A_488 = arith.constant 1 : i32
        %parallel_loop3A_489 = arith.constant 0 : i32
        %parallel_loop3A_490 = arith.constant 0 : i32
        %parallel_loop3A_491 = tpu.memref_slice %arg6[%parallel_loop3A_488, %parallel_loop3A_489, %parallel_loop3A_490] : memref<2x128x64xf32, #tpu.memory_space<vmem>> -> memref<1x128x64xf32, #tpu.memory_space<vmem>>
        %parallel_loop3A_492 = tpu.memref_squeeze %parallel_loop3A_491 : memref<1x128x64xf32, #tpu.memory_space<vmem>> -> memref<128x64xf32, #tpu.memory_space<vmem>>
        %parallel_loop3A_493 = tpu.vector_load_idx %parallel_loop3A_492[%parallel_loop3A_475, %add3A_8] : memref<128x64xf32, #tpu.memory_space<vmem>>[vector<16xi32>, vector<16xi32>], vector<16xf32>,
        %parallel_loop3A_494 = arith.constant 1 : i32
        %parallel_loop3A_495 = arith.constant 0 : i32
        %parallel_loop3A_496 = arith.constant 0 : i32
        %parallel_loop3A_497 = arith.constant 0 : i32
        %parallel_loop3A_498 = tpu.memref_slice %arg7[%parallel_loop3A_494, %parallel_loop3A_495, %parallel_loop3A_496, %parallel_loop3A_497] : memref<2x8x8x129xf32, #tpu.memory_space<vmem>> -> memref<1x8x8x129xf32, #tpu.memory_space<vmem>>
        %parallel_loop3A_499 = tpu.memref_squeeze %parallel_loop3A_498 : memref<1x8x8x129xf32, #tpu.memory_space<vmem>> -> memref<8x8x129xf32, #tpu.memory_space<vmem>>
        tpu.vector_store_idx %parallel_loop3A_499[%shift_right_arithmetic3A_19, %and3A_30, %parallel_loop3A_475], %parallel_loop3A_493 : memref<8x8x129xf32, #tpu.memory_space<vmem>>[vector<16xi32>, vector<16xi32>, vector<16xi32>], vector<16xf32>,
        %parallel_loop3A_500 = arith.constant 1 : i32
        %parallel_loop3A_501 = arith.constant 0 : i32
        %parallel_loop3A_502 = arith.constant 0 : i32
        %parallel_loop3A_503 = tpu.memref_slice %arg6[%parallel_loop3A_500, %parallel_loop3A_501, %parallel_loop3A_502] : memref<2x128x64xf32, #tpu.memory_space<vmem>> -> memref<1x128x64xf32, #tpu.memory_space<vmem>>
        %parallel_loop3A_504 = tpu.memref_squeeze %parallel_loop3A_503 : memref<1x128x64xf32, #tpu.memory_space<vmem>> -> memref<128x64xf32, #tpu.memory_space<vmem>>
        %parallel_loop3A_505 = tpu.vector_load_idx %parallel_loop3A_504[%parallel_loop3A_475, %add3A_11] : memref<128x64xf32, #tpu.memory_space<vmem>>[vector<16xi32>, vector<16xi32>], vector<16xf32>,
        %parallel_loop3A_506 = arith.constant 1 : i32
        %parallel_loop3A_507 = arith.constant 0 : i32
        %parallel_loop3A_508 = arith.constant 0 : i32
        %parallel_loop3A_509 = arith.constant 0 : i32
        %parallel_loop3A_510 = tpu.memref_slice %arg7[%parallel_loop3A_506, %parallel_loop3A_507, %parallel_loop3A_508, %parallel_loop3A_509] : memref<2x8x8x129xf32, #tpu.memory_space<vmem>> -> memref<1x8x8x129xf32, #tpu.memory_space<vmem>>
        %parallel_loop3A_511 = tpu.memref_squeeze %parallel_loop3A_510 : memref<1x8x8x129xf32, #tpu.memory_space<vmem>> -> memref<8x8x129xf32, #tpu.memory_space<vmem>>
        tpu.vector_store_idx %parallel_loop3A_511[%shift_right_arithmetic3A_22, %and3A_33, %parallel_loop3A_475], %parallel_loop3A_505 : memref<8x8x129xf32, #tpu.memory_space<vmem>>[vector<16xi32>, vector<16xi32>, vector<16xi32>], vector<16xf32>,
        %parallel_loop3A_512 = arith.constant 1 : i32
        %parallel_loop3A_513 = arith.constant 0 : i32
        %parallel_loop3A_514 = arith.constant 0 : i32
        %parallel_loop3A_515 = tpu.memref_slice %arg6[%parallel_loop3A_512, %parallel_loop3A_513, %parallel_loop3A_514] : memref<2x128x64xf32, #tpu.memory_space<vmem>> -> memref<1x128x64xf32, #tpu.memory_space<vmem>>
        %parallel_loop3A_516 = tpu.memref_squeeze %parallel_loop3A_515 : memref<1x128x64xf32, #tpu.memory_space<vmem>> -> memref<128x64xf32, #tpu.memory_space<vmem>>
        %parallel_loop3A_517 = tpu.vector_load_idx %parallel_loop3A_516[%parallel_loop3A_475, %add3A_14] : memref<128x64xf32, #tpu.memory_space<vmem>>[vector<16xi32>, vector<16xi32>], vector<16xf32>,
        %parallel_loop3A_518 = arith.constant 1 : i32
        %parallel_loop3A_519 = arith.constant 0 : i32
        %parallel_loop3A_520 = arith.constant 0 : i32
        %parallel_loop3A_521 = arith.constant 0 : i32
        %parallel_loop3A_522 = tpu.memref_slice %arg7[%parallel_loop3A_518, %parallel_loop3A_519, %parallel_loop3A_520, %parallel_loop3A_521] : memref<2x8x8x129xf32, #tpu.memory_space<vmem>> -> memref<1x8x8x129xf32, #tpu.memory_space<vmem>>
        %parallel_loop3A_523 = tpu.memref_squeeze %parallel_loop3A_522 : memref<1x8x8x129xf32, #tpu.memory_space<vmem>> -> memref<8x8x129xf32, #tpu.memory_space<vmem>>
        tpu.vector_store_idx %parallel_loop3A_523[%shift_right_arithmetic3A_25, %and3A_36, %parallel_loop3A_475], %parallel_loop3A_517 : memref<8x8x129xf32, #tpu.memory_space<vmem>>[vector<16xi32>, vector<16xi32>, vector<16xi32>], vector<16xf32>,
      } {sc.loop_unroll_factor = 4 : i64, sc.parallel_access}
      %jit3A_407 = arith.constant 128 : i32
      %div3A_408 = arith.divsi %add3A_375, %jit3A_407 : i32
      %sign3A_409 = arith.constant 0 : i32
      %sign3A_410 = arith.cmpi sgt, %add3A_375, %sign3A_409 : i32
      %sign3A_411 = arith.extui %sign3A_410 : i1 to i32
      %sign3A_412 = arith.constant 0 : i32
      %sign3A_413 = arith.cmpi slt, %add3A_375, %sign3A_412 : i32
      %sign3A_414 = arith.extui %sign3A_413 : i1 to i32
      %sign3A_415 = arith.subi %sign3A_411, %sign3A_414 : i32
      %sign3A_416 = arith.constant 0 : i32
      %sign3A_417 = arith.cmpi sgt, %jit3A_407, %sign3A_416 : i32
      %sign3A_418 = arith.extui %sign3A_417 : i1 to i32
      %sign3A_419 = arith.constant 0 : i32
      %sign3A_420 = arith.cmpi slt, %jit3A_407, %sign3A_419 : i32
      %sign3A_421 = arith.extui %sign3A_420 : i1 to i32
      %sign3A_422 = arith.subi %sign3A_418, %sign3A_421 : i32
      %ne3A_423 = arith.cmpi ne, %sign3A_415, %sign3A_422 : i32
      %rem3A_424 = arith.remsi %add3A_375, %jit3A_407 : i32
      %ne3A_425 = arith.constant 0 : i32
      %ne3A_426 = arith.cmpi ne, %rem3A_424, %ne3A_425 : i32
      %and3A_427 = arith.andi %ne3A_423, %ne3A_426 : i1
      %sub3A_428 = arith.constant 1 : i32
      %sub3A_429 = arith.subi %div3A_408, %sub3A_428 : i32
      %select_n3A_430 = arith.select %and3A_427, %sub3A_429, %div3A_408 : i32
      %jit3A_431 = arith.constant 128 : i32
      %eq3A_432 = arith.constant 0 : i32
      %eq3A_433 = arith.cmpi eq, %jit3A_431, %eq3A_432 : i32
      %jit3A_434 = arith.constant 1 : i32
      %select_n3A_435 = arith.select %eq3A_433, %jit3A_434, %jit3A_431 : i32
      %rem3A_436 = arith.remsi %add3A_375, %select_n3A_435 : i32
      %ne3A_437 = arith.constant 0 : i32
      %ne3A_438 = arith.cmpi ne, %rem3A_436, %ne3A_437 : i32
      %lt3A_439 = arith.constant 0 : i32
      %lt3A_440 = arith.cmpi slt, %rem3A_436, %lt3A_439 : i32
      %lt3A_441 = arith.constant 0 : i32
      %lt3A_442 = arith.cmpi slt, %select_n3A_435, %lt3A_441 : i32
      %ne3A_443 = arith.xori %lt3A_440, %lt3A_442 : i1
      %and3A_444 = arith.andi %ne3A_443, %ne3A_438 : i1
      %add3A_445 = arith.addi %rem3A_436, %select_n3A_435 : i32
      %select_n3A_446 = arith.select %and3A_444, %add3A_445, %rem3A_436 : i32
      %dma_start3A_447 = arith.constant 1 : i32
      %dma_start3A_448 = arith.constant 0 : i32
      %dma_start3A_449 = arith.constant 0 : i32
      %dma_start3A_450 = arith.constant 0 : i32
      %dma_start3A_451 = tpu.memref_slice %arg7[%dma_start3A_447, %dma_start3A_448, %dma_start3A_449, %dma_start3A_450] : memref<2x8x8x129xf32, #tpu.memory_space<vmem>> -> memref<1x8x8x128xf32, #tpu.memory_space<vmem>>
      %dma_start3A_452 = tpu.memref_squeeze %dma_start3A_451 : memref<1x8x8x128xf32, #tpu.memory_space<vmem>> -> memref<8x8x128xf32, #tpu.memory_space<vmem>>
      %dma_start3A_453 = arith.constant 0 : i32
      %dma_start3A_454 = arith.constant 0 : i32
      %dma_start3A_455 = arith.constant 0 : i32
      %dma_start3A_456 = tpu.memref_slice %arg4[%select_n3A_430, %dma_start3A_453, %select_n3A_446, %dma_start3A_454, %dma_start3A_455] : memref<50x8x128x8x128xf32, #tpu.memory_space<hbm>> -> memref<1x8x1x8x128xf32, #tpu.memory_space<hbm>>
      %dma_start3A_457 = tpu.memref_squeeze %dma_start3A_456 : memref<1x8x1x8x128xf32, #tpu.memory_space<hbm>> -> memref<8x8x128xf32, #tpu.memory_space<hbm>>
      %dma_start3A_458 = arith.constant 0 : i32
      %dma_start3A_459 = arith.constant 0 : i32
      %dma_start3A_460 = arith.constant 0 : i32
      %dma_start3A_461 = tpu.memref_slice %arg4[%select_n3A_430, %dma_start3A_458, %select_n3A_446, %dma_start3A_459, %dma_start3A_460] : memref<50x8x128x8x128xf32, #tpu.memory_space<hbm>> -> memref<1x8x1x8x128xf32, #tpu.memory_space<hbm>>
      %dma_start3A_462 = tpu.memref_squeeze %dma_start3A_461 : memref<1x8x1x8x128xf32, #tpu.memory_space<hbm>> -> memref<8x8x128xf32, #tpu.memory_space<hbm>>
      %dma_start3A_463 = arith.constant 0 : i32
      %dma_start3A_464 = arith.constant 0 : i32
      %dma_start3A_465 = arith.constant 0 : i32
      %dma_start3A_466 = tpu.memref_slice %arg7[%dma_start3A_447, %dma_start3A_463, %dma_start3A_464, %dma_start3A_465] : memref<2x8x8x129xf32, #tpu.memory_space<vmem>> -> memref<1x8x8x128xf32, #tpu.memory_space<vmem>>
      %dma_start3A_467 = tpu.memref_squeeze %dma_start3A_466 : memref<1x8x8x128xf32, #tpu.memory_space<vmem>> -> memref<8x8x128xf32, #tpu.memory_space<vmem>>
      tpu.enqueue_dma source(%dma_start3A_467 : memref<8x8x128xf32, #tpu.memory_space<vmem>>) target(%dma_start3A_462 : memref<8x8x128xf32, #tpu.memory_space<hbm>>) target_semaphore(%arg11 : memref<!tpu.dma_semaphore, #tpu.memory_space<semaphore_mem>>)
      %convert_element_type3A_468 = arith.extui %lt3A_383 : i1 to i32
      %cond3A_469 = arith.constant 0 : i32
      %cond3A_470 = arith.cmpi ne, %convert_element_type3A_468, %cond3A_469 : i32
      scf.if %cond3A_470 {
        %add3A_471 = arith.constant 2 : i32
        %add3A_472 = arith.addi %add3A_375, %add3A_471 : i32
        %jit3A_473 = arith.constant 128 : i32
        %div3A_474 = arith.divsi %add3A_472, %jit3A_473 : i32
        %sign3A_475 = arith.constant 0 : i32
        %sign3A_476 = arith.cmpi sgt, %add3A_472, %sign3A_475 : i32
        %sign3A_477 = arith.extui %sign3A_476 : i1 to i32
        %sign3A_478 = arith.constant 0 : i32
        %sign3A_479 = arith.cmpi slt, %add3A_472, %sign3A_478 : i32
        %sign3A_480 = arith.extui %sign3A_479 : i1 to i32
        %sign3A_481 = arith.subi %sign3A_477, %sign3A_480 : i32
        %sign3A_482 = arith.constant 0 : i32
        %sign3A_483 = arith.cmpi sgt, %jit3A_473, %sign3A_482 : i32
        %sign3A_484 = arith.extui %sign3A_483 : i1 to i32
        %sign3A_485 = arith.constant 0 : i32
        %sign3A_486 = arith.cmpi slt, %jit3A_473, %sign3A_485 : i32
        %sign3A_487 = arith.extui %sign3A_486 : i1 to i32
        %sign3A_488 = arith.subi %sign3A_484, %sign3A_487 : i32
        %ne3A_489 = arith.cmpi ne, %sign3A_481, %sign3A_488 : i32
        %rem3A_490 = arith.remsi %add3A_472, %jit3A_473 : i32
        %ne3A_491 = arith.constant 0 : i32
        %ne3A_492 = arith.cmpi ne, %rem3A_490, %ne3A_491 : i32
        %and3A_493 = arith.andi %ne3A_489, %ne3A_492 : i1
        %sub3A_494 = arith.constant 1 : i32
        %sub3A_495 = arith.subi %div3A_474, %sub3A_494 : i32
        %select_n3A_496 = arith.select %and3A_493, %sub3A_495, %div3A_474 : i32
        %jit3A_497 = arith.constant 128 : i32
        %eq3A_498 = arith.constant 0 : i32
        %eq3A_499 = arith.cmpi eq, %jit3A_497, %eq3A_498 : i32
        %jit3A_500 = arith.constant 1 : i32
        %select_n3A_501 = arith.select %eq3A_499, %jit3A_500, %jit3A_497 : i32
        %rem3A_502 = arith.remsi %add3A_472, %select_n3A_501 : i32
        %ne3A_503 = arith.constant 0 : i32
        %ne3A_504 = arith.cmpi ne, %rem3A_502, %ne3A_503 : i32
        %lt3A_505 = arith.constant 0 : i32
        %lt3A_506 = arith.cmpi slt, %rem3A_502, %lt3A_505 : i32
        %lt3A_507 = arith.constant 0 : i32
        %lt3A_508 = arith.cmpi slt, %select_n3A_501, %lt3A_507 : i32
        %ne3A_509 = arith.xori %lt3A_506, %lt3A_508 : i1
        %and3A_510 = arith.andi %ne3A_509, %ne3A_504 : i1
        %add3A_511 = arith.addi %rem3A_502, %select_n3A_501 : i32
        %select_n3A_512 = arith.select %and3A_510, %add3A_511, %rem3A_502 : i32
        %dma_wait3A_513 = arith.constant 1 : i32
        %dma_wait3A_514 = arith.constant 0 : i32
        %dma_wait3A_515 = tpu.memref_slice %arg5[%dma_wait3A_513, %dma_wait3A_514] : memref<2x128xi32, #tpu.memory_space<vmem>> -> memref<1x128xi32, #tpu.memory_space<vmem>>
        %dma_wait3A_516 = tpu.memref_squeeze %dma_wait3A_515 : memref<1x128xi32, #tpu.memory_space<vmem>> -> memref<128xi32, #tpu.memory_space<vmem>>
        %dma_wait3A_517 = arith.constant 0 : i32
        %dma_wait3A_518 = tpu.memref_slice %arg2[%select_n3A_496, %select_n3A_512, %dma_wait3A_517] : memref<50x128x128xi32, #tpu.memory_space<hbm>> -> memref<1x1x128xi32, #tpu.memory_space<hbm>>
        %dma_wait3A_519 = tpu.memref_squeeze %dma_wait3A_518 : memref<1x1x128xi32, #tpu.memory_space<hbm>> -> memref<128xi32, #tpu.memory_space<hbm>>
        %dma_wait3A_520 = arith.constant 0 : i32
        %dma_wait3A_521 = tpu.memref_slice %arg5[%dma_wait3A_513, %dma_wait3A_520] : memref<2x128xi32, #tpu.memory_space<vmem>> -> memref<1x128xi32, #tpu.memory_space<vmem>>
        %dma_wait3A_522 = tpu.memref_squeeze %dma_wait3A_521 : memref<1x128xi32, #tpu.memory_space<vmem>> -> memref<128xi32, #tpu.memory_space<vmem>>
        %dma_wait3A_523 = arith.constant 0 : i32
        %dma_wait3A_524 = tpu.memref_slice %arg2[%select_n3A_496, %select_n3A_512, %dma_wait3A_523] : memref<50x128x128xi32, #tpu.memory_space<hbm>> -> memref<1x1x128xi32, #tpu.memory_space<hbm>>
        %dma_wait3A_525 = tpu.memref_squeeze %dma_wait3A_524 : memref<1x1x128xi32, #tpu.memory_space<hbm>> -> memref<128xi32, #tpu.memory_space<hbm>>
        tpu.wait_dma2 semaphore(%arg13 : memref<!tpu.dma_semaphore, #tpu.memory_space<semaphore_mem>>) src(%dma_wait3A_525 : memref<128xi32, #tpu.memory_space<hbm>>) dst(%dma_wait3A_522 : memref<128xi32, #tpu.memory_space<vmem>>)
        %dma_start3A_526 = arith.constant 1 : i32
        %dma_start3A_527 = arith.constant 1 : i32
        %dma_start3A_528 = arith.constant 0 : i32
        %dma_start3A_529 = arith.constant 0 : i32
        %dma_start3A_530 = tpu.memref_slice %arg6[%dma_start3A_527, %dma_start3A_528, %dma_start3A_529] : memref<2x128x64xf32, #tpu.memory_space<vmem>> -> memref<1x128x64xf32, #tpu.memory_space<vmem>>
        %dma_start3A_531 = tpu.memref_squeeze %dma_start3A_530 : memref<1x128x64xf32, #tpu.memory_space<vmem>> -> memref<128x64xf32, #tpu.memory_space<vmem>>
        %dma_start3A_532 = arith.constant 0 : i32
        %dma_start3A_533 = tpu.memref_slice %arg5[%dma_start3A_526, %dma_start3A_532] : memref<2x128xi32, #tpu.memory_space<vmem>> -> memref<1x128xi32, #tpu.memory_space<vmem>>
        %dma_start3A_534 = tpu.memref_squeeze %dma_start3A_533 : memref<1x128xi32, #tpu.memory_space<vmem>> -> memref<128xi32, #tpu.memory_space<vmem>>
        %dma_start3A_535 = arith.constant 0 : i32
        %dma_start3A_536 = arith.constant 0 : i32
        %dma_start3A_537 = tpu.memref_slice %arg3[%dma_start3A_535, %dma_start3A_536] : memref<2000000x64xf32, #tpu.memory_space<hbm>> -> memref<2000000x64xf32, #tpu.memory_space<hbm>>
        tpu.enqueue_indirect_dma source(%dma_start3A_537 : memref<2000000x64xf32, #tpu.memory_space<hbm>>) target(%dma_start3A_531 : memref<128x64xf32, #tpu.memory_space<vmem>>) offsets(%dma_start3A_534 : memref<128xi32, #tpu.memory_space<vmem>>) semaphore(%arg9 : memref<!tpu.dma_semaphore, #tpu.memory_space<semaphore_mem>>)
      } else {
      }
    }
    %scan3A_140 = arith.constant 100 : i32
    %add3A_141 = arith.constant 200 : i32
    %add3A_142 = arith.addi %mul3A_2, %add3A_141 : i32
    %sub3A_143 = arith.constant 2 : i32
    %sub3A_144 = arith.subi %add3A_142, %sub3A_143 : i32
    %add3A_145 = arith.constant 0 : i32
    %add3A_146 = arith.addi %sub3A_144, %add3A_145 : i32
    %jit3A_147 = arith.constant 128 : i32
    %div3A_148 = arith.divsi %add3A_146, %jit3A_147 : i32
    %sign3A_149 = arith.constant 0 : i32
    %sign3A_150 = arith.cmpi sgt, %add3A_146, %sign3A_149 : i32
    %sign3A_151 = arith.extui %sign3A_150 : i1 to i32
    %sign3A_152 = arith.constant 0 : i32
    %sign3A_153 = arith.cmpi slt, %add3A_146, %sign3A_152 : i32
    %sign3A_154 = arith.extui %sign3A_153 : i1 to i32
    %sign3A_155 = arith.subi %sign3A_151, %sign3A_154 : i32
    %sign3A_156 = arith.constant 0 : i32
    %sign3A_157 = arith.cmpi sgt, %jit3A_147, %sign3A_156 : i32
    %sign3A_158 = arith.extui %sign3A_157 : i1 to i32
    %sign3A_159 = arith.constant 0 : i32
    %sign3A_160 = arith.cmpi slt, %jit3A_147, %sign3A_159 : i32
    %sign3A_161 = arith.extui %sign3A_160 : i1 to i32
    %sign3A_162 = arith.subi %sign3A_158, %sign3A_161 : i32
    %ne3A_163 = arith.cmpi ne, %sign3A_155, %sign3A_162 : i32
    %rem3A_164 = arith.remsi %add3A_146, %jit3A_147 : i32
    %ne3A_165 = arith.constant 0 : i32
    %ne3A_166 = arith.cmpi ne, %rem3A_164, %ne3A_165 : i32
    %and3A_167 = arith.andi %ne3A_163, %ne3A_166 : i1
    %sub3A_168 = arith.constant 1 : i32
    %sub3A_169 = arith.subi %div3A_148, %sub3A_168 : i32
    %select_n3A_170 = arith.select %and3A_167, %sub3A_169, %div3A_148 : i32
    %jit3A_171 = arith.constant 128 : i32
    %eq3A_172 = arith.constant 0 : i32
    %eq3A_173 = arith.cmpi eq, %jit3A_171, %eq3A_172 : i32
    %jit3A_174 = arith.constant 1 : i32
    %select_n3A_175 = arith.select %eq3A_173, %jit3A_174, %jit3A_171 : i32
    %rem3A_176 = arith.remsi %add3A_146, %select_n3A_175 : i32
    %ne3A_177 = arith.constant 0 : i32
    %ne3A_178 = arith.cmpi ne, %rem3A_176, %ne3A_177 : i32
    %lt3A_179 = arith.constant 0 : i32
    %lt3A_180 = arith.cmpi slt, %rem3A_176, %lt3A_179 : i32
    %lt3A_181 = arith.constant 0 : i32
    %lt3A_182 = arith.cmpi slt, %select_n3A_175, %lt3A_181 : i32
    %ne3A_183 = arith.xori %lt3A_180, %lt3A_182 : i1
    %and3A_184 = arith.andi %ne3A_183, %ne3A_178 : i1
    %add3A_185 = arith.addi %rem3A_176, %select_n3A_175 : i32
    %select_n3A_186 = arith.select %and3A_184, %add3A_185, %rem3A_176 : i32
    %dma_wait3A = arith.constant 0 : i32
    %dma_wait3A_187 = arith.constant 0 : i32
    %dma_wait3A_188 = arith.constant 0 : i32
    %dma_wait3A_189 = arith.constant 0 : i32
    %dma_wait3A_190 = tpu.memref_slice %arg7[%dma_wait3A, %dma_wait3A_187, %dma_wait3A_188, %dma_wait3A_189] : memref<2x8x8x129xf32, #tpu.memory_space<vmem>> -> memref<1x8x8x128xf32, #tpu.memory_space<vmem>>
    %dma_wait3A_191 = tpu.memref_squeeze %dma_wait3A_190 : memref<1x8x8x128xf32, #tpu.memory_space<vmem>> -> memref<8x8x128xf32, #tpu.memory_space<vmem>>
    %dma_wait3A_192 = arith.constant 0 : i32
    %dma_wait3A_193 = arith.constant 0 : i32
    %dma_wait3A_194 = arith.constant 0 : i32
    %dma_wait3A_195 = tpu.memref_slice %arg4[%select_n3A_170, %dma_wait3A_192, %select_n3A_186, %dma_wait3A_193, %dma_wait3A_194] : memref<50x8x128x8x128xf32, #tpu.memory_space<hbm>> -> memref<1x8x1x8x128xf32, #tpu.memory_space<hbm>>
    %dma_wait3A_196 = tpu.memref_squeeze %dma_wait3A_195 : memref<1x8x1x8x128xf32, #tpu.memory_space<hbm>> -> memref<8x8x128xf32, #tpu.memory_space<hbm>>
    %dma_wait3A_197 = arith.constant 0 : i32
    %dma_wait3A_198 = arith.constant 0 : i32
    %dma_wait3A_199 = arith.constant 0 : i32
    %dma_wait3A_200 = tpu.memref_slice %arg4[%select_n3A_170, %dma_wait3A_197, %select_n3A_186, %dma_wait3A_198, %dma_wait3A_199] : memref<50x8x128x8x128xf32, #tpu.memory_space<hbm>> -> memref<1x8x1x8x128xf32, #tpu.memory_space<hbm>>
    %dma_wait3A_201 = tpu.memref_squeeze %dma_wait3A_200 : memref<1x8x1x8x128xf32, #tpu.memory_space<hbm>> -> memref<8x8x128xf32, #tpu.memory_space<hbm>>
    %dma_wait3A_202 = arith.constant 0 : i32
    %dma_wait3A_203 = arith.constant 0 : i32
    %dma_wait3A_204 = arith.constant 0 : i32
    %dma_wait3A_205 = tpu.memref_slice %arg7[%dma_wait3A, %dma_wait3A_202, %dma_wait3A_203, %dma_wait3A_204] : memref<2x8x8x129xf32, #tpu.memory_space<vmem>> -> memref<1x8x8x128xf32, #tpu.memory_space<vmem>>
    %dma_wait3A_206 = tpu.memref_squeeze %dma_wait3A_205 : memref<1x8x8x128xf32, #tpu.memory_space<vmem>> -> memref<8x8x128xf32, #tpu.memory_space<vmem>>
    tpu.wait_dma2 semaphore(%arg10 : memref<!tpu.dma_semaphore, #tpu.memory_space<semaphore_mem>>) src(%dma_wait3A_206 : memref<8x8x128xf32, #tpu.memory_space<vmem>>) dst(%dma_wait3A_201 : memref<8x8x128xf32, #tpu.memory_space<hbm>>)
    %add3A_207 = arith.constant 200 : i32
    %add3A_208 = arith.addi %mul3A_2, %add3A_207 : i32
    %sub3A_209 = arith.constant 2 : i32
    %sub3A_210 = arith.subi %add3A_208, %sub3A_209 : i32
    %add3A_211 = arith.constant 1 : i32
    %add3A_212 = arith.addi %sub3A_210, %add3A_211 : i32
    %jit3A_213 = arith.constant 128 : i32
    %div3A_214 = arith.divsi %add3A_212, %jit3A_213 : i32
    %sign3A_215 = arith.constant 0 : i32
    %sign3A_216 = arith.cmpi sgt, %add3A_212, %sign3A_215 : i32
    %sign3A_217 = arith.extui %sign3A_216 : i1 to i32
    %sign3A_218 = arith.constant 0 : i32
    %sign3A_219 = arith.cmpi slt, %add3A_212, %sign3A_218 : i32
    %sign3A_220 = arith.extui %sign3A_219 : i1 to i32
    %sign3A_221 = arith.subi %sign3A_217, %sign3A_220 : i32
    %sign3A_222 = arith.constant 0 : i32
    %sign3A_223 = arith.cmpi sgt, %jit3A_213, %sign3A_222 : i32
    %sign3A_224 = arith.extui %sign3A_223 : i1 to i32
    %sign3A_225 = arith.constant 0 : i32
    %sign3A_226 = arith.cmpi slt, %jit3A_213, %sign3A_225 : i32
    %sign3A_227 = arith.extui %sign3A_226 : i1 to i32
    %sign3A_228 = arith.subi %sign3A_224, %sign3A_227 : i32
    %ne3A_229 = arith.cmpi ne, %sign3A_221, %sign3A_228 : i32
    %rem3A_230 = arith.remsi %add3A_212, %jit3A_213 : i32
    %ne3A_231 = arith.constant 0 : i32
    %ne3A_232 = arith.cmpi ne, %rem3A_230, %ne3A_231 : i32
    %and3A_233 = arith.andi %ne3A_229, %ne3A_232 : i1
    %sub3A_234 = arith.constant 1 : i32
    %sub3A_235 = arith.subi %div3A_214, %sub3A_234 : i32
    %select_n3A_236 = arith.select %and3A_233, %sub3A_235, %div3A_214 : i32
    %jit3A_237 = arith.constant 128 : i32
    %eq3A_238 = arith.constant 0 : i32
    %eq3A_239 = arith.cmpi eq, %jit3A_237, %eq3A_238 : i32
    %jit3A_240 = arith.constant 1 : i32
    %select_n3A_241 = arith.select %eq3A_239, %jit3A_240, %jit3A_237 : i32
    %rem3A_242 = arith.remsi %add3A_212, %select_n3A_241 : i32
    %ne3A_243 = arith.constant 0 : i32
    %ne3A_244 = arith.cmpi ne, %rem3A_242, %ne3A_243 : i32
    %lt3A_245 = arith.constant 0 : i32
    %lt3A_246 = arith.cmpi slt, %rem3A_242, %lt3A_245 : i32
    %lt3A_247 = arith.constant 0 : i32
    %lt3A_248 = arith.cmpi slt, %select_n3A_241, %lt3A_247 : i32
    %ne3A_249 = arith.xori %lt3A_246, %lt3A_248 : i1
    %and3A_250 = arith.andi %ne3A_249, %ne3A_244 : i1
    %add3A_251 = arith.addi %rem3A_242, %select_n3A_241 : i32
    %select_n3A_252 = arith.select %and3A_250, %add3A_251, %rem3A_242 : i32
    %dma_wait3A_253 = arith.constant 1 : i32
    %dma_wait3A_254 = arith.constant 0 : i32
    %dma_wait3A_255 = arith.constant 0 : i32
    %dma_wait3A_256 = arith.constant 0 : i32
    %dma_wait3A_257 = tpu.memref_slice %arg7[%dma_wait3A_253, %dma_wait3A_254, %dma_wait3A_255, %dma_wait3A_256] : memref<2x8x8x129xf32, #tpu.memory_space<vmem>> -> memref<1x8x8x128xf32, #tpu.memory_space<vmem>>
    %dma_wait3A_258 = tpu.memref_squeeze %dma_wait3A_257 : memref<1x8x8x128xf32, #tpu.memory_space<vmem>> -> memref<8x8x128xf32, #tpu.memory_space<vmem>>
    %dma_wait3A_259 = arith.constant 0 : i32
    %dma_wait3A_260 = arith.constant 0 : i32
    %dma_wait3A_261 = arith.constant 0 : i32
    %dma_wait3A_262 = tpu.memref_slice %arg4[%select_n3A_236, %dma_wait3A_259, %select_n3A_252, %dma_wait3A_260, %dma_wait3A_261] : memref<50x8x128x8x128xf32, #tpu.memory_space<hbm>> -> memref<1x8x1x8x128xf32, #tpu.memory_space<hbm>>
    %dma_wait3A_263 = tpu.memref_squeeze %dma_wait3A_262 : memref<1x8x1x8x128xf32, #tpu.memory_space<hbm>> -> memref<8x8x128xf32, #tpu.memory_space<hbm>>
    %dma_wait3A_264 = arith.constant 0 : i32
    %dma_wait3A_265 = arith.constant 0 : i32
    %dma_wait3A_266 = arith.constant 0 : i32
    %dma_wait3A_267 = tpu.memref_slice %arg4[%select_n3A_236, %dma_wait3A_264, %select_n3A_252, %dma_wait3A_265, %dma_wait3A_266] : memref<50x8x128x8x128xf32, #tpu.memory_space<hbm>> -> memref<1x8x1x8x128xf32, #tpu.memory_space<hbm>>
    %dma_wait3A_268 = tpu.memref_squeeze %dma_wait3A_267 : memref<1x8x1x8x128xf32, #tpu.memory_space<hbm>> -> memref<8x8x128xf32, #tpu.memory_space<hbm>>
    %dma_wait3A_269 = arith.constant 0 : i32
    %dma_wait3A_270 = arith.constant 0 : i32
    %dma_wait3A_271 = arith.constant 0 : i32
    %dma_wait3A_272 = tpu.memref_slice %arg7[%dma_wait3A_253, %dma_wait3A_269, %dma_wait3A_270, %dma_wait3A_271] : memref<2x8x8x129xf32, #tpu.memory_space<vmem>> -> memref<1x8x8x128xf32, #tpu.memory_space<vmem>>
    %dma_wait3A_273 = tpu.memref_squeeze %dma_wait3A_272 : memref<1x8x8x128xf32, #tpu.memory_space<vmem>> -> memref<8x8x128xf32, #tpu.memory_space<vmem>>
    tpu.wait_dma2 semaphore(%arg11 : memref<!tpu.dma_semaphore, #tpu.memory_space<semaphore_mem>>) src(%dma_wait3A_273 : memref<8x8x128xf32, #tpu.memory_space<vmem>>) dst(%dma_wait3A_268 : memref<8x8x128xf32, #tpu.memory_space<hbm>>)
    return
  }
}

</mosaic_0001>

<sc_bundles>
// kernel: kernel.3.cloned.1.call-start
scs
__scs_entry_jumppad:
0x0: {  	(pc) =	sbr.rel $0x88, $3  }
0x1: {  	(tag) =	ssettag $0x0;
	lr =	simm.s32 $0x1  }
0x2: {  	[smem:$0x3F9F] =	sst lr;
	_ =	strace $0xD0000000  }
0x3: {  	_ = 	snop  }
0x4: {  	_ = 	snop  }
0x5: {  	_ = 	snop  }
0x6: {  	_ = 	snop  }
0x7: {  	_ = 	snop  }
__scs_overlays_trampoline_lowered:
0x8: {  	[smem:$0x3FAE] =	sst s0  }
0x9: {  	[smem:$0x3FAF] =	sst s1  }
0xa: {  	[smem:$0x3FB0] =	sst s2  }
0xb: {  	[smem:$0x3FB1] =	sst s3  }
0xc: {  	[smem:$0x3FB2] =	sst s4  }
0xd: {  	[smem:$0x3FB3] =	sst s5  }
0xe: {  	[smem:$0x3FB4] =	sst s6  }
0xf: {  	[smem:$0x3FB5] =	sst s7  }
0x10: {  	[smem:$0x3FB6] =	sst s8  }
0x11: {  	[smem:$0x3FB7] =	sst s9;
	s0 =	simm.s32 @!p0 $0x0  }
0x12: {  	s1 =	sld [smem:$0x3F9D];
	s0 =	simm.s32 @p0 $0x1  }
0x13: {  	[smem:$0x3FB8] =	sst s0;
	s0 =	simm.s32 @!p1 $0x0  }
0x14: {  	s2 =	sld [smem:$0x3F9C];
	s0 =	simm.s32 @p1 $0x1  }
0x15: {  	[smem:$0x3FB9] =	sst s0;
	s0 =	simm.s32 @!p2 $0x0  }
0x16: {  	s3 =	sld [smem:$0x3FDB];
	s0 =	simm.s32 @p2 $0x1  }
0x17: {  	s4 =	simm.s32 $0x1BF5;
	[smem:$0x3FBB] =	sst s0  }
0x18: {  	s0 =	sld [smem:$0x3F9E];
	_ =	swait.ge [sflag:s4], $0x0  }
0x19: {  	s7 =	sld [smem:$0x3F9F]  }
0x1a: {  	s8 =	sadd.s32 $0xFFFFE003, lr  }
0x1b: {  	s9 =	sadd.s32 $0xFFFFFEF7, lr;
	s5 =	simm.s32 $0xFFFFFFFF;
	p2 =	slt.u32 s8, $0xFFFFF086  }
0x1c: {  	p1 =	slt.u32 s9, $0xF7A;
	s5 =	simm.s32 @!p2 $0x0  }
0x1d: {  	s5 =	simm.s32 @p1 $0x1;
	p0 =	seq.s32 s7, s2  }
0x1e: {  	s7 =	smul.u32 @!p0 $0xF7A, s2;
	p2 =	seq.s32 @!p0 s5, $0x0  }
0x1f: {  	s9 =	smul.u32 $0xF7A, s1;
	s8 =	simm.s32 @!p0 $0x1BF5;
	p2 =	por !p2, p0  }
0x20: {  	[sflag:s8] =	ssyncset.s32 @!p0 $0xFFFFF086;
	s6 =	sadd.s32 @!p0 s3, s7;
	s7 =	simm.s32 @!p0 $0x108  }
0x21: {  	s3 =	sadd.s32 s3, s9;
	s6 =	sadd.s32 @!p0 $0x88, s6;
	s7 =	simm.s32 @p2 $0x1082  }
0x22: {  	[simem:s7], [sflag:s8] =	dma.local @!p0 [hbm:s6], $0xF7A  }
0x23: {  	s9 =	sor.u32 $0xD0000000, s2;
	s6 =	simm.s32 $0x108;
	_ =	swait.ge @!p0 [sflag:s8], $0x0  }
0x24: {  	s3 =	sadd.s32 $0x88, s3;
	s6 =	simm.s32 @!p1 $0x1082;
	[sflag:s4] =	ssyncset.s32 $0xFFFFF086  }
0x25: {  	[simem:s6], [sflag:s4] =	dma.local [hbm:s3], $0xF7A  }
0x26: {  	[smem:$0x3F9F] =	sst s1;
	(tag) =	ssettag s2;
	_ =	strace s9  }
0x27: {  	s1 =	sld [smem:$0x3FAF]  }
0x28: {  	s2 =	sld [smem:$0x3FB0]  }
0x29: {  	s4 =	sld [smem:$0x3FB2]  }
0x2a: {  	p0 =	seq.s32 s5, $0x0;
	s5 =	sld [smem:$0x3FB3]  }
0x2b: {  	s6 =	sld [smem:$0x3FB4]  }
0x2c: {  	s7 =	sld [smem:$0x3FB5]  }
0x2d: {  	s3 =	simm.s32 $0x108;
	s8 =	sld [smem:$0x3FB6]  }
0x2e: {  	s3 =	simm.s32 @!p0 $0x1082;
	s9 =	sld [smem:$0x3FB7]  }
0x2f: {  	lr =	sadd.s32 s0, s3;
	s0 =	sld [smem:$0x3FAE]  }
0x30: {  	s3 =	sld [smem:$0x3FB1]  }
0x31: {  	[smem:$0x3FBA] =	sst s10  }
0x32: {  	s10 =	sld [smem:$0x3FB8];
	_ =	sdelay $0x3  }
0x33: {  	p0 =	seq.s32 s10, $0x1;
	s10 =	sld [smem:$0x3FBA];
	_ =	sdelay $0x3  }
0x34: {  	[smem:$0x3FBA] =	sst s10  }
0x35: {  	s10 =	sld [smem:$0x3FB9];
	_ =	sdelay $0x3  }
0x36: {  	p1 =	seq.s32 s10, $0x1;
	s10 =	sld [smem:$0x3FBA];
	_ =	sdelay $0x3  }
0x37: {  	[smem:$0x3FBA] =	sst s10  }
0x38: {  	s10 =	sld [smem:$0x3FBB]  }
0x39: {  	_ = 	snop;
	(pc) =	sbr.ind lr, $3  }
0x3a: {  	_ = 	snop  }
0x3b: {  	_ = 	snop  }
0x3c: {  	p2 =	seq.s32 s10, $0x1;
	s10 =	sld [smem:$0x3FBA]  }
0x3d: {  	_ =	shalt  }
0x3e: {  	_ =	shalt  }
0x3f: {  	_ =	shalt  }
0x40: {  	_ =	shalt  }
0x41: {  	_ =	shalt  }
0x42: {  	_ =	shalt  }
0x43: {  	_ =	shalt  }
0x44: {  	_ =	shalt  }
0x45: {  	_ =	shalt  }
0x46: {  	_ =	shalt  }
0x47: {  	_ =	shalt  }
0x48: {  	_ =	shalt  }
0x49: {  	_ =	shalt  }
0x4a: {  	_ =	shalt  }
0x4b: {  	_ =	shalt  }
0x4c: {  	_ =	shalt  }
0x4d: {  	_ =	shalt  }
0x4e: {  	_ =	shalt  }
0x4f: {  	_ =	shalt  }
0x50: {  	_ =	shalt  }
0x51: {  	_ =	shalt  }
0x52: {  	_ =	shalt  }
0x53: {  	_ =	shalt  }
0x54: {  	_ =	shalt  }
0x55: {  	_ =	shalt  }
0x56: {  	_ =	shalt  }
0x57: {  	_ =	shalt  }
0x58: {  	_ =	shalt  }
0x59: {  	_ =	shalt  }
0x5a: {  	_ =	shalt  }
0x5b: {  	_ =	shalt  }
0x5c: {  	_ =	shalt  }
0x5d: {  	_ =	shalt  }
0x5e: {  	_ =	shalt  }
0x5f: {  	_ =	shalt  }
0x60: {  	_ =	shalt  }
0x61: {  	_ =	shalt  }
0x62: {  	_ =	shalt  }
0x63: {  	_ =	shalt  }
0x64: {  	_ =	shalt  }
0x65: {  	_ =	shalt  }
0x66: {  	_ =	shalt  }
0x67: {  	_ =	shalt  }
0x68: {  	_ =	shalt  }
0x69: {  	_ =	shalt  }
0x6a: {  	_ =	shalt  }
0x6b: {  	_ =	shalt  }
0x6c: {  	_ =	shalt  }
0x6d: {  	_ =	shalt  }
0x6e: {  	_ =	shalt  }
0x6f: {  	_ =	shalt  }
0x70: {  	_ =	shalt  }
0x71: {  	_ =	shalt  }
0x72: {  	_ =	shalt  }
0x73: {  	_ =	shalt  }
0x74: {  	_ =	shalt  }
0x75: {  	_ =	shalt  }
0x76: {  	_ =	shalt  }
0x77: {  	_ =	shalt  }
0x78: {  	_ =	shalt  }
0x79: {  	_ =	shalt  }
0x7a: {  	_ =	shalt  }
0x7b: {  	_ =	shalt  }
0x7c: {  	_ =	shalt  }
0x7d: {  	_ =	shalt  }
0x7e: {  	_ =	shalt  }
0x7f: {  	_ =	shalt  }
0x80: {  	_ =	shalt  }
0x81: {  	_ =	shalt  }
0x82: {  	_ =	shalt  }
0x83: {  	_ =	shalt  }
0x84: {  	_ =	shalt  }
0x85: {  	_ =	shalt  }
0x86: {  	_ =	shalt  }
0x87: {  	_ =	shalt  }
.Lfunc_end0:
.L_simem_size_0:
called_computation.1_lowered:
.L_overlay_start_0:
0x88: {  	s2 =	sld [smem:$0x3FD9]  }
0x89: {  	s3 =	sld [smem:$0x3FFE];
	_ =	sdelay $0x1  }
0x8a: {  	s1 =	srdreg.scid  }
0x8b: {  	s0 =	sand.u32 $0x1, s1  }
0x8c: {  	s17 =	sshll.u32 s0, $0xA;
	s2 =	sadd.s32 s3, s2  }
0x8d: {  	s2 =	sadd.s32 s2, s17  }
0x8e: {  	[smem:$0x3FC6] =	sst s2  }
0x8f: {  	_ = 	snop  }
0x90: {  	s2 =	sld [smem:$0x3FD0];
	(tm) =	ssettm $0x1  }
0x91: {  	s18 =	sld [smem:$0x3FFB];
	_ =	sdelay $0x3  }
0x92: {  	_ =	strace s18  }
0x93: {  	s3 =	sld [smem:$0x3FFC];
	_ =	sdelay $0x3  }
0x94: {  	_ =	strace s3  }
0x95: {  	s3 =	sld [smem:$0x3FFD];
	_ =	sdelay $0x3  }
0x96: {  	_ =	strace s3  }
0x97: {  	_ =	strace $0x8FFFFFFF  }
0x98: {  	s19 =	sld [smem:$0x3FDB];
	_ =	sdelay $0x1  }
0x99: {  	s4 =	simm.s32 $_scs_section_size  }
0x9a: {  	s5 =	simm.s32 $_size__tile_overlayer_lowered;
	s6 =	simm.s32 $_tile_overlayer_lowered  }
0x9b: {  	s22 =	simm.s32 $0x1BFF;
	s21 =	sshll.u32 s6, $0x1;
	s3 =	sadd.s32 s4, s19  }
0x9c: {  	s7 =	simm.s32 $0x0;
	s20 =	sshll.u32 s5, $0x1;
	s5 =	sadd.s32 s21, s3  }
0x9d: {  	[timem:s7], [sflag:s22] =	dma.local [hbm:s5], s20  }
0x9e: {  	_ =	swait.ge [sflag:s22], s20  }
0x9f: {  	s4 =	ssub.s32 $0x0, s20;
	[sflag:s22] =	ssyncset.done $0x0  }
0xa0: {  	[sflag:s22] =	ssyncadd.s32 s4;
	_ =	sdelay $0x1  }
0xa1: {  	s23 =	simm.s32 $0x1B8B  }
0xa2: {  	_ =	swait.ge [sflag:s23], $0x1  }
0xa3: {  	[sflag:s23] =	ssyncset.done $0x0  }
0xa4: {  	s25 =	simm.s32 $0x1B8E;
	s24 =	sld [smem:$0x3FFE];
	[sflag:s23] =	ssyncadd.s32 $0xFFFFFFFF  }
0xa5: {  	s26 =	simm.s32 $execute0_lowered;
	[smem:$0x3FD2] =	sst s25  }
0xa6: {  	s5 =	sshll.u32 s26, $0x1;
	_ =	strace $0x80000049;
	[dreg:$0x1] =	wrdreg $0xFFFFFFFF  }
0xa7: {  	s28 =	simm.s32 $_size_execute0_lowered;
	s3 =	sadd.s32 s3, s5;
	[dreg:$0x0] =	wrdreg $0x0  }
0xa8: {  	s5 =	sshll.u32 s28, $0x1;
	[dreg:$0x2] =	wrdreg s3  }
0xa9: {  	[dreg:$0x3] =	wrdreg s5  }
0xaa: {  	[dreg:$0x4] =	wrdreg $0xC0  }
0xab: {  	_ =	task [dreg:s7], $0x5FFFF  }
0xac: {  	[dreg:$0x1] =	wrdreg $0xFFFFFFFF  }
0xad: {  	[dreg:$0x0] =	wrdreg $0x60  }
0xae: {  	[dreg:$0x2] =	wrdreg s24  }
0xaf: {  	[dreg:$0x3] =	wrdreg s2  }
0xb0: {  	[dreg:$0x4] =	wrdreg $0x9  }
0xb1: {  	_ =	task.clear_ibuf [dreg:s7], $0x5FFFF;
	_ =	strace $0x90000049  }
0xb2: {  	s29 =	simm.s32 $0x9;
	_ =	strace $0x8000004B  }
0xb3: {  	_ =	swait.ge [sflag:s29], $0x1  }
0xb4: {  	[sflag:s29] =	ssyncadd.s32 $0xFFFFFFFF  }
0xb5: {  	_ =	strace $0x9000004B  }
0xb6: {  	_ =	sfence  }
0xb7: {  	s30 =	sld [smem:$0x0];
	_ =	sdelay $0x2  }
0xb8: {  	s31 =	sshll.u32 s1, $0xD;
	s1 =	sshrl.u32 s1, $0x2  }
0xb9: {  	s3 =	sand.u32 $0x4000, s31;
	s1 =	sadd.s32 s1, s30  }
0xba: {  	s0 =	sor.u32 s3, s0;
	s1 =	sshll.u32 s1, $0x11  }
0xbb: {  	s0 =	sor.u32 s1, s0  }
0xbc: {  	s0 =	sadd.s32 $0x8F2B, s0  }
0xbd: {  	[sflag:s0] =	ssyncadd.remote.s32 $0x1  }
0xbe: {  	_ =	sfence.sel $0xFFFF  }
0xbf: {  	[dreg:$0x0] =	wrdreg $0xFFFFFFFF;
	(pc) =	sbr.abs _section_cstart, $3  }
0xc0: {  	[dreg:$0x1] =	wrdreg $0xFFFFFFFF  }
0xc1: {  	_ =	task.clear_ibuf [dreg:s7], $0x2FFFF;
	_ =	strace $0x9FFFFFFF  }
0xc2: {  	(tm) =	ssettm $0x7FFFFFFF  }
0xc3: {  	_ =	shalt  }
tec
execute0_lowered:
.L_overlay_start_1:
0x0: {  	(tag) =	ssettag $0x1  }
0x1: {  	s1 =	srdreg.scid  }
0x2: {  	s0 =	stileid.u32;
	s10 =	rddreg [dreg:$0x0]  }
0x3: {  	s2 =	rddreg [dreg:$0x1];
	s3 =	simm.s32 $0x0;
	s11 =	simm.s32 $0x7  }
0x4: {  	s12 =	simm.s32 $0x80;
	s4 =	sand.u32 $0x1, s1;
	s29 =	sshll.u32 s0, $0x1  }
0x5: {  	s13 =	simm.s32 $0x100;
	s14 =	simm.s32 $0x2100;
	s5 =	sor.u32 s4, s29  }
0x6: {  	s15 =	simm.s32 $0x1;
	s16 =	simm.s32 $0x4100;
	s6 =	smul.u32 $0x6400, s5  }
0x7: {  	s17 =	simm.s32 $0x6300;
	s18 =	simm.s32 $0x3;
	s7 =	smul.u32 $0x2400, s5  }
0x8: {  	s19 =	simm.s32 $0x4;
	s20 =	simm.s32 $0x6;
	s21 =	simm.s32 $0x0  }
0x9: {  	[smem:$0x7FF] =	sst s3;
	s6 =	sand.u32 $0xFC000, s6;
	s7 =	sand.u32 $0x3C00, s7  }
.Ltmp0:
0xa: {  	v0 =	vlaneseq.u32;
	_ =	strace $0x8000004A;
	s6 =	sor.u32 s7, s6;
	(pc) =	sbr.rel .LBB2_1-.Ltmp0, $4  }
0xb: {  	v1 =	vmul.u32 $0x88, v0;
	s30 =	ssub.s32 $0x2, s4;
	s4 =	sadd.s32 $0xF5BE00, s10;
	s6 =	sshrl.u32 s6, $0x3  }
0xc: {  	v2 =	vor.u32 $0x10, v0;
	v4 =	vor.u32 $0x20, v0;
	s31 =	sshrl.u32 s30, $0x1;
	s5 =	smul.u32 $0xC8, s5;
	s8 =	sadd.s32 s6, s10  }
0xd: {  	v6 =	vor.u32 $0x30, v0;
	v3 =	vadd.s32 $0x880, v1;
	s9 =	ssub.s32 s30, s31;
	s6 =	sadd.s32 $0xF42E00, s8;
	s7 =	sadd.s32 $0xF42E10, s8  }
0xe: {  	v5 =	vadd.s32 $0x1100, v1;
	v7 =	vadd.s32 $0x1980, v1;
	s8 =	smax.u32 s9, $0x1;
	s9 =	sadd.s32 $0xF42E20, s10;
	s10 =	sadd.s32 $0xF42E30, s10  }
.LBB2_15:
0xf: {  	s21 =	sadd.s32 $0x1, s21  }
0x10: {  	_ =	swait.ge [sflag:s18], $0x2000;
	p0 =	sne.s32 s21, s8  }
.Ltmp1:
0x11: {  	[sflag:s18] =	ssyncset.done $0x0;
	(pc) =	sbr.rel @!p0 .LBB2_16-.Ltmp1, $4  }
0x12: {  	[sflag:s18] =	ssyncadd.s32 $0xFFFFE000  }
0x13: {  	_ =	swait.ge [sflag:s19], $0x2000  }
0x14: {  	[sflag:s19] =	ssyncset.done $0x0  }
0x15: {  	[sflag:s19] =	ssyncadd.s32 $0xFFFFE000  }
.LBB2_1:
0x16: {  	[tilespmem:s3], [sflag:$0x7] =	stream.linear.gather [hbm4b:s6+s3], $0x80, $0x38;
	[tilespmem:$0x8500] =	vst v63  }
0x17: {  	_ =	swait.ge [sflag:s11], $0x80  }
0x18: {  	[sflag:s11] =	ssyncset.done $0x0  }
0x19: {  	[sflag:s11] =	ssyncadd.s32 $0xFFFFFF80  }
0x1a: {  	[tilespmem:s13], [sflag:$0x1] =	stream.indirect.gather [hbm4b:s4+s12], $0x40, s3, s12, $0xb8;
	[tilespmem:$0x8500] =	vst v63  }
0x1b: {  	_ = 	snop  }
0x1c: {  	[tilespmem:s12], [sflag:$0x7] =	stream.linear.gather [hbm4b:s7+s3], $0x80, $0x38;
	[tilespmem:$0x8500] =	vst v63  }
0x1d: {  	_ =	swait.ge [sflag:s11], $0x80  }
0x1e: {  	[sflag:s11] =	ssyncset.done $0x0  }
0x1f: {  	s22 =	simm.s32 $0x0;
	[sflag:s11] =	ssyncadd.s32 $0xFFFFFF80  }
0x20: {  	[tilespmem:s14], [sflag:$0x2] =	stream.indirect.gather [hbm4b:s4+s12], $0x40, s12, s12, $0xb8;
	[tilespmem:$0x8500] =	vst v63  }
.LBB2_2:
0x21: {  	p0 =	seq.s32 s22, $0x63  }
0x22: {  	p1 =	seq.s32 @!p0 s22, $0x0  }
0x23: {  	p1 =	por p0, !p1  }
.Ltmp2:
0x24: {  	s23 =	sshll.u32 s22, $0x1;
	(pc) =	sbr.rel @!p1 .LBB2_3-.Ltmp2, $4  }
0x25: {  	_ =	swait.ge [sflag:s15], $0x2000;
	s23 =	sadd.s32 s5, s23  }
0x26: {  	[sflag:s15] =	ssyncset.done $0x0;
	s24 =	sshll.u32 @!p0 s23, $0x4  }
0x27: {  	s25 =	simm.s32 @!p0 $0x0;
	[sflag:s15] =	ssyncadd.s32 $0xFFFFE000;
	s24 =	sadd.s32 @!p0 s9, s24  }
0x28: {  	[tilespmem:s25], [sflag:$0x5] =	stream.linear.gather @!p0 [hbm4b:s24+s25], $0x80, $0x38;
	[tilespmem:$0x8500] =	vst v63  }
.Ltmp3:
0x29: {  	(pc) =	sbr.rel .LBB2_5-.Ltmp3, $4  }
0x2a: {  	_ = 	snop  }
0x2b: {  	_ =	swait.ge [sflag:s18], $0x2000  }
0x2c: {  	[sflag:s18] =	ssyncset.done $0x0  }
0x2d: {  	p1 =	por $0x0, $0x0;
	[sflag:s18] =	ssyncadd.s32 $0xFFFFE000  }
.LBB2_3:
0x2e: {  	p1 =	por @!p0 $0x1, $0x1  }
.LBB2_5:
0x2f: {  	s24 =	simm.s32 $0x2  }
0x30: {  	s25 =	simm.s32 $0x0;
	v8 =	vmov s24  }
0x31: {  	s26 =	simm.s32 $0x1;
	v9 =	vmov s25;
	v10 =	vshll.u32 v8, $0x6  }
0x32: {  	v12 =	vmov s26;
	v17 =	vshll.u32 v9, $0x6;
	v11 =	vor.u32 v0, v10  }
0x33: {  	v19 =	vshll.u32 v12, $0x6;
	v13 =	vor.u32 v0, v17  }
0x34: {  	s28 =	simm.s32 $0x3;
	v15 =	vor.u32 v0, v19  }
0x35: {  	v14 =	vmov s28  }
0x36: {  	v21 =	vshll.u32 v14, $0x6;
	v22 =	vand.u32 $0x7E, v8  }
0x37: {  	v25 =	vand.u32 $0x7C, v9;
	v16 =	vor.u32 v0, v21;
	v9 =	vld.idx.msk [tilespmem:v11+s13+$0x0], $0xffff;
	v11 =	vadd.s32 v1, v22  }
0x38: {  	v23 =	vand.u32 $0x7D, v12;
	v18 =	vadd.s32 v1, v25;
	v13 =	vld.idx.msk [tilespmem:v13+s13+$0x0], $0xffff  }
0x39: {  	v12 =	vor.u32 v2, v10;
	v20 =	vadd.s32 v1, v23;
	v15 =	vld.idx.msk [tilespmem:v15+s13+$0x0], $0xffff  }
0x3a: {  	v27 =	vor.u32 v2, v19  }
0x3b: {  	v24 =	vand.u32 $0x7F, v14;
	v14 =	vor.u32 v2, v17  }
0x3c: {  	v26 =	vor.u32 v2, v21;
	[tilespmem:v11+s16+$0x0] =	vst.idx.msk $0xffff, v9;
	v9 =	vld.idx.msk [tilespmem:v16+s13+$0x0], $0xffff;
	v11 =	vadd.s32 v1, v24  }
0x3d: {  	s29 =	simm.s32 $0x6;
	v8 =	vadd.s32 v7, v23;
	v29 =	vor.u32 v6, v10;
	[tilespmem:v18+s16+$0x0] =	vst.idx.msk $0xffff, v13  }
0x3e: {  	v35 =	vmov s29;
	v28 =	vor.u32 v4, v21;
	v16 =	vadd.s32 v3, v22;
	[tilespmem:v20+s16+$0x0] =	vst.idx.msk $0xffff, v15;
	v13 =	vld.idx.msk [tilespmem:v12+s13+$0x0], $0xffff  }
0x3f: {  	v30 =	vor.u32 v4, v19;
	v10 =	vor.u32 v4, v10;
	v34 =	vadd.s32 v3, v23;
	v27 =	vld.idx.msk [tilespmem:v27+s13+$0x0], $0xffff  }
0x40: {  	s30 =	simm.s32 $0x4;
	v31 =	vadd.s32 v5, v22;
	v32 =	vadd.s32 v3, v24;
	v18 =	vshll.u32 v35, $0x6  }
0x41: {  	v36 =	vmov s30;
	v33 =	vadd.s32 v3, v25;
	v14 =	vld.idx.msk [tilespmem:v14+s13+$0x0], $0xffff;
	v38 =	vor.u32 v0, v18;
	[tilespmem:v11+s16+$0x0] =	vst.idx.msk $0xffff, v9  }
0x42: {  	s31 =	simm.s32 $0x7;
	v61 =	vadd.s32 v5, v25;
	v42 =	vor.u32 v6, v17;
	v20 =	vor.u32 v4, v17;
	v26 =	vld.idx.msk [tilespmem:v26+s13+$0x0], $0xffff  }
0x43: {  	s26 =	simm.s32 $0x5;
	v43 =	vadd.s32 v5, v23;
	v15 =	vshll.u32 v36, $0x6;
	v9 =	vmov s31;
	[tilespmem:v16+s16+$0x0] =	vst.idx.msk $0xffff, v13  }
0x44: {  	v37 =	vmov s26;
	v40 =	vor.u32 v0, v15;
	v12 =	vshll.u32 v9, $0x6;
	[tilespmem:v34+s16+$0x0] =	vst.idx.msk $0xffff, v27;
	v59 =	vld.idx.msk [tilespmem:v10+s13+$0x0], $0xffff  }
0x45: {  	v63 =	vor.u32 v6, v19;
	v45 =	vadd.s32 v5, v24;
	v41 =	vor.u32 v0, v12;
	v30 =	vld.idx.msk [tilespmem:v30+s13+$0x0], $0xffff  }
0x46: {  	v25 =	vadd.s32 v7, v25;
	v11 =	vshll.u32 v37, $0x6;
	[tilespmem:v33+s16+$0x0] =	vst.idx.msk $0xffff, v14;
	v38 =	vld.idx.msk [tilespmem:v38+s13+$0x0], $0xffff  }
0x47: {  	v39 =	vor.u32 v0, v11;
	v13 =	vand.u32 $0x7E, v35;
	v60 =	vld.idx.msk [tilespmem:v20+s13+$0x0], $0xffff;
	[tilespmem:v32+s16+$0x0] =	vst.idx.msk $0xffff, v26  }
0x48: {  	v17 =	vadd.s32 v7, v24;
	v24 =	vor.u32 v6, v21;
	v62 =	vadd.s32 v1, v13;
	v44 =	vld.idx.msk [tilespmem:v28+s13+$0x0], $0xffff  }
0x49: {  	v19 =	vor.u32 v6, v18;
	v14 =	vand.u32 $0x7C, v36;
	v16 =	vand.u32 $0x7D, v37;
	v28 =	vld.idx.msk [tilespmem:v40+s13+$0x0], $0xffff;
	[tilespmem:v31+s16+$0x0] =	vst.idx.msk $0xffff, v59  }
0x4a: {  	v33 =	vor.u32 v2, v18;
	v35 =	vadd.s32 v1, v14;
	[tilespmem:v43+s16+$0x0] =	vst.idx.msk $0xffff, v30;
	v30 =	vld.idx.msk [tilespmem:v41+s13+$0x0], $0xffff  }
0x4b: {  	v34 =	vor.u32 v2, v15;
	v27 =	vadd.s32 v7, v22;
	v10 =	vand.u32 $0x7F, v9;
	v26 =	vld.idx.msk [tilespmem:v29+s13+$0x0], $0xffff  }
0x4c: {  	v20 =	vor.u32 v2, v12;
	v36 =	vadd.s32 v1, v16;
	[tilespmem:v61+s16+$0x0] =	vst.idx.msk $0xffff, v60;
	v29 =	vld.idx.msk [tilespmem:v39+s13+$0x0], $0xffff  }
0x4d: {  	v9 =	vadd.s32 v7, v16;
	v31 =	vor.u32 v2, v11;
	[tilespmem:v62+s16+$0x0] =	vst.idx.msk $0xffff, v38;
	v23 =	vld.idx.msk [tilespmem:v42+s13+$0x0], $0xffff  }
0x4e: {  	s24 =	simm.s32 $0x8;
	v21 =	vor.u32 v4, v12;
	v32 =	vadd.s32 v1, v10;
	v22 =	vld.idx.msk [tilespmem:v63+s13+$0x0], $0xffff;
	[tilespmem:v45+s16+$0x0] =	vst.idx.msk $0xffff, v44  }
.LBB2_6:
0x4f: {  	p2 =	slt.u32 s24, $0x7C;
	[tilespmem:v35+s16+$0x0] =	vst.idx.msk $0xffff, v28;
	v28 =	vor.u32 v4, v11;
	v33 =	vld.idx.msk [tilespmem:v33+s13+$0x0], $0xffff;
	v35 =	vadd.s32 v5, v13;
	s25 =	smov.u32 s24;
	s24 =	sadd.s32 $0x4, s24  }
0x50: {  	v37 =	vadd.s32 v3, v13;
	v38 =	vadd.s32 v3, v10;
	v34 =	vld.idx.msk [tilespmem:v34+s13+$0x0], $0xffff;
	[tilespmem:v27+s16+$0x0] =	vst.idx.msk $0xffff, v26  }
0x51: {  	v26 =	vadd.s32 v3, v14;
	v27 =	vor.u32 v4, v18;
	[tilespmem:v36+s16+$0x0] =	vst.idx.msk $0xffff, v29;
	v24 =	vld.idx.msk [tilespmem:v24+s13+$0x0], $0xffff  }
0x52: {  	v39 =	vadd.s32 v3, v16;
	s26 =	sadd.s32 $0x1, s25;
	s28 =	sadd.s32 $0x2, s25;
	v29 =	vmov s25;
	s25 =	sadd.s32 $0x3, s25;
	v36 =	vor.u32 v4, v15;
	v31 =	vld.idx.msk [tilespmem:v31+s13+$0x0], $0xffff;
	[tilespmem:v25+s16+$0x0] =	vst.idx.msk $0xffff, v23  }
0x53: {  	v23 =	vmov s26;
	v25 =	vmov s28;
	v40 =	vmov s25;
	[tilespmem:v32+s16+$0x0] =	vst.idx.msk $0xffff, v30;
	v30 =	vmovc v11;
	v32 =	vmovc v12  }
0x54: {  	v11 =	vshll.u32 v23, $0x6;
	v18 =	vshll.u32 v25, $0x6;
	v12 =	vshll.u32 v40, $0x6;
	v41 =	vld.idx.msk [tilespmem:v20+s13+$0x0], $0xffff;
	[tilespmem:v8+s16+$0x0] =	vst.idx.msk $0xffff, v22;
	v22 =	vmovc v14  }
0x55: {  	v42 =	vshll.u32 v29, $0x6;
	v43 =	vor.u32 v0, v11;
	v44 =	vor.u32 v0, v18;
	[tilespmem:v37+s16+$0x0] =	vst.idx.msk $0xffff, v33  }
0x56: {  	v33 =	vor.u32 v0, v42;
	v37 =	vor.u32 v0, v12;
	[tilespmem:v26+s16+$0x0] =	vst.idx.msk $0xffff, v34;
	v26 =	vld.idx.msk [tilespmem:v27+s13+$0x0], $0xffff  }
0x57: {  	v23 =	vand.u32 $0x7D, v23;
	v14 =	vand.u32 $0x7C, v29;
	v27 =	vld.idx.msk [tilespmem:v36+s13+$0x0], $0xffff;
	[tilespmem:v17+s16+$0x0] =	vst.idx.msk $0xffff, v24;
	v24 =	vmovc v13;
	v13 =	vand.u32 $0x7E, v25  }
0x58: {  	v20 =	vor.u32 v2, v12;
	v17 =	vand.u32 $0x7F, v40;
	v25 =	vadd.s32 v5, v22;
	[tilespmem:v39+s16+$0x0] =	vst.idx.msk $0xffff, v31  }
0x59: {  	v29 =	vmovc v10;
	v8 =	vmov v9;
	v9 =	vadd.s32 v7, v23;
	v10 =	vmov v17;
	v31 =	vld.idx.msk [tilespmem:v28+s13+$0x0], $0xffff  }
0x5a: {  	v40 =	vor.u32 v6, v15;
	v39 =	vld.idx.msk [tilespmem:v44+s13+$0x0], $0xffff;
	v44 =	vadd.s32 v5, v16;
	[tilespmem:v38+s16+$0x0] =	vst.idx.msk $0xffff, v41  }
0x5b: {  	v15 =	vmovc v42;
	v17 =	vadd.s32 v7, v29;
	v38 =	vadd.s32 v1, v13;
	v16 =	vmov v23;
	v41 =	vld.idx.msk [tilespmem:v21+s13+$0x0], $0xffff  }
0x5c: {  	v45 =	vadd.s32 v5, v29;
	v42 =	vor.u32 v6, v30;
	v28 =	vld.idx.msk [tilespmem:v33+s13+$0x0], $0xffff;
	[tilespmem:v35+s16+$0x0] =	vst.idx.msk $0xffff, v26  }
.Ltmp4:
0x5d: {  	v35 =	vadd.s32 v1, v14;
	v33 =	vor.u32 v2, v18;
	[tilespmem:v25+s16+$0x0] =	vst.idx.msk $0xffff, v27;
	v26 =	vld.idx.msk [tilespmem:v19+s13+$0x0], $0xffff;
	(pc) =	sbr.rel @p2 .LBB2_6-.Ltmp4, $4  }
0x5e: {  	v34 =	vor.u32 v2, v15;
	v27 =	vadd.s32 v7, v24;
	v24 =	vor.u32 v6, v32;
	v29 =	vld.idx.msk [tilespmem:v43+s13+$0x0], $0xffff  }
0x5f: {  	v36 =	vadd.s32 v1, v16;
	v25 =	vadd.s32 v7, v22;
	v23 =	vld.idx.msk [tilespmem:v40+s13+$0x0], $0xffff;
	[tilespmem:v44+s16+$0x0] =	vst.idx.msk $0xffff, v31  }
0x60: {  	v19 =	vor.u32 v6, v18;
	v31 =	vor.u32 v2, v11;
	[tilespmem:v38+s16+$0x0] =	vst.idx.msk $0xffff, v39;
	v30 =	vld.idx.msk [tilespmem:v37+s13+$0x0], $0xffff  }
0x61: {  	v21 =	vor.u32 v4, v12;
	v32 =	vadd.s32 v1, v10;
	v22 =	vld.idx.msk [tilespmem:v42+s13+$0x0], $0xffff;
	[tilespmem:v45+s16+$0x0] =	vst.idx.msk $0xffff, v41  }
0x62: {  	_ =	sdelay $0x3  }
0x63: {  	[tilespmem:v35+s16+$0x0] =	vst.idx.msk $0xffff, v28;
	v47 =	vld.idx.msk [tilespmem:v33+s13+$0x0], $0xffff;
	v48 =	vadd.s32 v3, v13  }
0x64: {  	v49 =	vadd.s32 v3, v14;
	v18 =	vor.u32 v4, v18;
	v34 =	vld.idx.msk [tilespmem:v34+s13+$0x0], $0xffff;
	[tilespmem:v36+s16+$0x0] =	vst.idx.msk $0xffff, v29  }
0x65: {  	v50 =	vor.u32 v4, v15;
	v51 =	vadd.s32 v3, v16;
	v31 =	vld.idx.msk [tilespmem:v31+s13+$0x0], $0xffff;
	[tilespmem:v32+s16+$0x0] =	vst.idx.msk $0xffff, v30  }
0x66: {  	v52 =	vor.u32 v4, v11;
	v53 =	vadd.s32 v3, v10;
	v20 =	vld.idx.msk [tilespmem:v20+s13+$0x0], $0xffff;
	_ =	sdelay $0x1  }
0x67: {  	[tilespmem:v48+s16+$0x0] =	vst.idx.msk $0xffff, v47  }
0x68: {  	v54 =	vadd.s32 v5, v13;
	[tilespmem:v49+s16+$0x0] =	vst.idx.msk $0xffff, v34;
	v18 =	vld.idx.msk [tilespmem:v18+s13+$0x0], $0xffff  }
0x69: {  	v55 =	vadd.s32 v5, v14;
	v29 =	vld.idx.msk [tilespmem:v50+s13+$0x0], $0xffff;
	[tilespmem:v51+s16+$0x0] =	vst.idx.msk $0xffff, v31  }
0x6a: {  	v56 =	vor.u32 v6, v15;
	v57 =	vadd.s32 v5, v16;
	v30 =	vld.idx.msk [tilespmem:v52+s13+$0x0], $0xffff;
	[tilespmem:v53+s16+$0x0] =	vst.idx.msk $0xffff, v20  }
0x6b: {  	[tilespmem:v27+s16+$0x0] =	vst.idx.msk $0xffff, v26;
	v58 =	vor.u32 v6, v11;
	v59 =	vadd.s32 v5, v10;
	v20 =	vld.idx.msk [tilespmem:v21+s13+$0x0], $0xffff  }
0x6c: {  	v12 =	vor.u32 v6, v12;
	[tilespmem:v25+s16+$0x0] =	vst.idx.msk $0xffff, v23  }
0x6d: {  	v60 =	vld.idx.msk [tilespmem:v24+s13+$0x0], $0xffff;
	[tilespmem:v54+s16+$0x0] =	vst.idx.msk $0xffff, v18  }
0x6e: {  	v61 =	vadd.s32 v7, v13;
	[tilespmem:v55+s16+$0x0] =	vst.idx.msk $0xffff, v29;
	v18 =	vld.idx.msk [tilespmem:v19+s13+$0x0], $0xffff  }
0x6f: {  	v62 =	vadd.s32 v7, v14;
	v15 =	vld.idx.msk [tilespmem:v56+s13+$0x0], $0xffff;
	[tilespmem:v57+s16+$0x0] =	vst.idx.msk $0xffff, v30  }
0x70: {  	v11 =	vld.idx.msk [tilespmem:v58+s13+$0x0], $0xffff;
	[tilespmem:v59+s16+$0x0] =	vst.idx.msk $0xffff, v20  }
0x71: {  	[tilespmem:v8+s16+$0x0] =	vst.idx.msk $0xffff, v22;
	v8 =	vadd.s32 v7, v10;
	v63 =	vld.idx.msk [tilespmem:v12+s13+$0x0], $0xffff  }
0x72: {  	[tilespmem:v17+s16+$0x0] =	vst.idx.msk $0xffff, v60  }
0x73: {  	s24 =	sshll.u32 s23, $0x7;
	[tilespmem:v61+s16+$0x0] =	vst.idx.msk $0xffff, v18  }
0x74: {  	s25 =	sshll.u32 s23, $0xA;
	s24 =	sand.u32 $0x3F00, s24;
	[tilespmem:v62+s16+$0x0] =	vst.idx.msk $0xffff, v15  }
0x75: {  	s25 =	sand.u32 $0xFFE0000, s25;
	s26 =	sadd.s32 s2, s24;
	[tilespmem:v9+s16+$0x0] =	vst.idx.msk $0xffff, v11  }
0x76: {  	s1 =	simm.s32 $0x4100;
	s28 =	sadd.s32 s25, s26;
	[tilespmem:v8+s16+$0x0] =	vst.idx.msk $0xffff, v63  }
0x77: {  	[hbm4b:s28+s3] =	stream.linear.scatter [tilespmem:s1], [sflag:$0x3], $0x80, $0x38;
	[tilespmem:$0x8500] =	vst v63  }
0x78: {  	s29 =	sadd.s32 $0x10, s28;
	s1 =	simm.s32 $0x4188  }
0x79: {  	[hbm4b:s29+s3] =	stream.linear.scatter [tilespmem:s1], [sflag:$0x3], $0x80, $0x38;
	[tilespmem:$0x8500] =	vst v63  }
0x7a: {  	s1 =	simm.s32 $0x4210;
	s29 =	sadd.s32 $0x20, s28  }
0x7b: {  	[hbm4b:s29+s3] =	stream.linear.scatter [tilespmem:s1], [sflag:$0x3], $0x80, $0x38;
	[tilespmem:$0x8500] =	vst v63  }
0x7c: {  	s1 =	simm.s32 $0x4298;
	s29 =	sadd.s32 $0x30, s28  }
0x7d: {  	[hbm4b:s29+s3] =	stream.linear.scatter [tilespmem:s1], [sflag:$0x3], $0x80, $0x38;
	[tilespmem:$0x8500] =	vst v63  }
0x7e: {  	s1 =	simm.s32 $0x4320;
	s29 =	sadd.s32 $0x40, s28  }
0x7f: {  	[hbm4b:s29+s3] =	stream.linear.scatter [tilespmem:s1], [sflag:$0x3], $0x80, $0x38;
	[tilespmem:$0x8500] =	vst v63  }
0x80: {  	s30 =	simm.s32 $0x44B8;
	s1 =	simm.s32 $0x43A8;
	s29 =	sadd.s32 $0x50, s28  }
0x81: {  	[hbm4b:s29+s3] =	stream.linear.scatter [tilespmem:s1], [sflag:$0x3], $0x80, $0x38;
	[tilespmem:$0x8500] =	vst v63  }
0x82: {  	s26 =	simm.s32 $0x440;
	s1 =	simm.s32 $0x4430;
	s29 =	sadd.s32 $0x60, s28  }
0x83: {  	[hbm4b:s29+s3] =	stream.linear.scatter [tilespmem:s1], [sflag:$0x3], $0x80, $0x38;
	[tilespmem:$0x8500] =	vst v63  }
0x84: {  	s31 =	sadd.s32 $0x70, s28;
	s28 =	sadd.s32 $0x4000, s28;
	s29 =	simm.s32 $0x2200  }
.LBB2_8:
0x85: {  	[hbm4b:s31+s3] =	stream.linear.scatter [tilespmem:s30], [sflag:$0x3], $0x80, $0x38;
	[tilespmem:$0x8500] =	vst v63  }
0x86: {  	s30 =	smov.u32 s26;
	s26 =	smov.u32 s29  }
0x87: {  	s1 =	sadd.s32 $0x1100, s29;
	s26 =	sshra.s32 s26, $0x2;
	s31 =	sadd.s32 $0x4100, s30  }
0x88: {  	[hbm4b:s28+s3] =	stream.linear.scatter [tilespmem:s31], [sflag:$0x3], $0x80, $0x38;
	[tilespmem:$0x8500] =	vst v63  }
0x89: {  	p2 =	sne.s32 s29, $0x7700;
	s29 =	sadd.s32 $0x4188, s30;
	s31 =	sadd.s32 $0x10, s28  }
0x8a: {  	[hbm4b:s31+s3] =	stream.linear.scatter [tilespmem:s29], [sflag:$0x3], $0x80, $0x38;
	[tilespmem:$0x8500] =	vst v63  }
0x8b: {  	s29 =	sadd.s32 $0x4210, s30;
	s31 =	sadd.s32 $0x20, s28  }
0x8c: {  	[hbm4b:s31+s3] =	stream.linear.scatter [tilespmem:s29], [sflag:$0x3], $0x80, $0x38;
	[tilespmem:$0x8500] =	vst v63  }
0x8d: {  	s29 =	sadd.s32 $0x4298, s30;
	s31 =	sadd.s32 $0x30, s28  }
0x8e: {  	[hbm4b:s31+s3] =	stream.linear.scatter [tilespmem:s29], [sflag:$0x3], $0x80, $0x38;
	[tilespmem:$0x8500] =	vst v63  }
0x8f: {  	s29 =	sadd.s32 $0x4320, s30;
	s31 =	sadd.s32 $0x40, s28  }
0x90: {  	[hbm4b:s31+s3] =	stream.linear.scatter [tilespmem:s29], [sflag:$0x3], $0x80, $0x38;
	[tilespmem:$0x8500] =	vst v63  }
.Ltmp5:
0x91: {  	s29 =	sadd.s32 $0x43A8, s30;
	s31 =	sadd.s32 $0x50, s28;
	(pc) =	sbr.rel @p2 .LBB2_8-.Ltmp5, $4  }
0x92: {  	[hbm4b:s31+s3] =	stream.linear.scatter [tilespmem:s29], [sflag:$0x3], $0x80, $0x38;
	[tilespmem:$0x8500] =	vst v63  }
0x93: {  	s29 =	sadd.s32 $0x4430, s30;
	s31 =	sadd.s32 $0x60, s28;
	s30 =	sadd.s32 $0x44B8, s30  }
0x94: {  	[hbm4b:s31+s3] =	stream.linear.scatter [tilespmem:s29], [sflag:$0x3], $0x80, $0x38;
	[tilespmem:$0x8500] =	vst v63  }
0x95: {  	s31 =	sadd.s32 $0x70, s28;
	s28 =	sadd.s32 $0x4000, s28;
	s29 =	smov.u32 s1  }
0x96: {  	[hbm4b:s31+s3] =	stream.linear.scatter [tilespmem:s30], [sflag:$0x3], $0x80, $0x38;
	[tilespmem:$0x8500] =	vst v63  }
0x97: {  	s1 =	sadd.s32 $0x4100, s26  }
0x98: {  	[hbm4b:s28+s3] =	stream.linear.scatter [tilespmem:s1], [sflag:$0x3], $0x80, $0x38;
	[tilespmem:$0x8500] =	vst v63  }
0x99: {  	s31 =	sadd.s32 $0x4188, s26;
	s29 =	sadd.s32 $0x10, s28  }
0x9a: {  	[hbm4b:s29+s3] =	stream.linear.scatter [tilespmem:s31], [sflag:$0x3], $0x80, $0x38;
	[tilespmem:$0x8500] =	vst v63  }
0x9b: {  	s30 =	sadd.s32 $0x4210, s26;
	s31 =	sadd.s32 $0x20, s28  }
0x9c: {  	[hbm4b:s31+s3] =	stream.linear.scatter [tilespmem:s30], [sflag:$0x3], $0x80, $0x38;
	[tilespmem:$0x8500] =	vst v63  }
0x9d: {  	s30 =	sadd.s32 $0x4298, s26;
	s31 =	sadd.s32 $0x30, s28  }
0x9e: {  	[hbm4b:s31+s3] =	stream.linear.scatter [tilespmem:s30], [sflag:$0x3], $0x80, $0x38;
	[tilespmem:$0x8500] =	vst v63  }
0x9f: {  	s30 =	sadd.s32 $0x4320, s26;
	s31 =	sadd.s32 $0x40, s28  }
0xa0: {  	[hbm4b:s31+s3] =	stream.linear.scatter [tilespmem:s30], [sflag:$0x3], $0x80, $0x38;
	[tilespmem:$0x8500] =	vst v63  }
0xa1: {  	s30 =	sadd.s32 $0x43A8, s26;
	s31 =	sadd.s32 $0x50, s28  }
0xa2: {  	[hbm4b:s31+s3] =	stream.linear.scatter [tilespmem:s30], [sflag:$0x3], $0x80, $0x38;
	[tilespmem:$0x8500] =	vst v63  }
0xa3: {  	p2 =	sne.s32 s22, $0x63;
	s30 =	sadd.s32 $0x4430, s26;
	s31 =	sadd.s32 $0x60, s28  }
0xa4: {  	[hbm4b:s31+s3] =	stream.linear.scatter [tilespmem:s30], [sflag:$0x3], $0x80, $0x38;
	[tilespmem:$0x8500] =	vst v63  }
0xa5: {  	s1 =	simm.s32 @p2 $0x5;
	s26 =	sadd.s32 $0x44B8, s26;
	s28 =	sadd.s32 $0x70, s28  }
0xa6: {  	[hbm4b:s28+s3] =	stream.linear.scatter [tilespmem:s26], [sflag:$0x3], $0x80, $0x38;
	[tilespmem:$0x8500] =	vst v63  }
0xa7: {  	_ =	swait.ge @p2 [sflag:s1], $0x80  }
0xa8: {  	s26 =	simm.s32 @p2 $0x0;
	[sflag:s1] =	ssyncset.done @p2 $0x0  }
0xa9: {  	s28 =	simm.s32 @p2 $0x100;
	[sflag:s1] =	ssyncadd.s32 @p2 $0xFFFFFF80;
	s1 =	simm.s32 @p2 $0x80  }
0xaa: {  	[tilespmem:s28], [sflag:$0x1] =	stream.indirect.gather @p2 [hbm4b:s4+s1], $0x40, s26, s1, $0xb8;
	[tilespmem:$0x8500] =	vst v63  }
0xab: {  	s28 =	simm.s32 @p2 $0x2  }
0xac: {  	_ =	swait.ge @p2 [sflag:s28], $0x2000  }
0xad: {  	s23 =	sshll.u32 @p2 s23, $0x4;
	[sflag:s28] =	ssyncset.done @p2 $0x0  }
0xae: {  	s23 =	sadd.s32 @p2 s10, s23;
	s29 =	simm.s32 $0x2;
	[sflag:s28] =	ssyncadd.s32 @p2 $0xFFFFE000  }
0xaf: {  	[tilespmem:s1], [sflag:$0x6] =	stream.linear.gather @p2 [hbm4b:s23+s26], $0x80, $0x38;
	[tilespmem:$0x8500] =	vst v63  }
0xb0: {  	v8 =	vmov s29;
	s30 =	simm.s32 $0x0;
	s23 =	simm.s32 @!p2 $0x2  }
0xb1: {  	v10 =	vshll.u32 v8, $0x6;
	v9 =	vmov s30;
	_ =	swait.ge @!p2 [sflag:s23], $0x2000  }
0xb2: {  	v11 =	vor.u32 v0, v10;
	s31 =	simm.s32 $0x1;
	v12 =	vshll.u32 v9, $0x6;
	[sflag:s23] =	ssyncset.done @!p2 $0x0  }
0xb3: {  	v13 =	vmov s31;
	v14 =	vor.u32 v0, v12;
	[sflag:s23] =	ssyncadd.s32 @!p2 $0xFFFFE000;
	s23 =	simm.s32 @!p1 $0x4  }
0xb4: {  	v19 =	vshll.u32 v13, $0x6;
	s26 =	simm.s32 $0x3;
	_ =	swait.ge @!p1 [sflag:s23], $0x2000  }
0xb5: {  	v16 =	vor.u32 v0, v19;
	v15 =	vmov s26;
	[sflag:s23] =	ssyncset.done @!p1 $0x0  }
0xb6: {  	v22 =	vand.u32 $0x7E, v8;
	v21 =	vshll.u32 v15, $0x6;
	[sflag:s23] =	ssyncadd.s32 @!p1 $0xFFFFE000  }
0xb7: {  	v25 =	vand.u32 $0x7C, v9;
	v17 =	vor.u32 v0, v21;
	v9 =	vld.idx.msk [tilespmem:v11+s14+$0x0], $0xffff;
	v11 =	vadd.s32 v1, v22  }
0xb8: {  	v18 =	vadd.s32 v1, v25;
	v14 =	vld.idx.msk [tilespmem:v14+s14+$0x0], $0xffff  }
0xb9: {  	v23 =	vand.u32 $0x7D, v13;
	v13 =	vor.u32 v2, v10  }
0xba: {  	v20 =	vadd.s32 v1, v23;
	v24 =	vand.u32 $0x7F, v15;
	v15 =	vor.u32 v2, v12;
	v16 =	vld.idx.msk [tilespmem:v16+s14+$0x0], $0xffff  }
0xbb: {  	v29 =	vor.u32 v6, v10;
	v30 =	vadd.s32 v5, v22;
	v27 =	vor.u32 v2, v19;
	s28 =	simm.s32 $0x6  }
0xbc: {  	v8 =	vadd.s32 v7, v23;
	v35 =	vmov s28;
	[tilespmem:v11+s17+$0x0] =	vst.idx.msk $0xffff, v9;
	v9 =	vld.idx.msk [tilespmem:v17+s14+$0x0], $0xffff;
	v11 =	vadd.s32 v1, v24  }
0xbd: {  	v28 =	vor.u32 v4, v19;
	v26 =	vor.u32 v2, v21;
	[tilespmem:v18+s17+$0x0] =	vst.idx.msk $0xffff, v14;
	v18 =	vshll.u32 v35, $0x6  }
0xbe: {  	s29 =	simm.s32 $0x4;
	v33 =	vadd.s32 v3, v25;
	v14 =	vadd.s32 v3, v22;
	v13 =	vld.idx.msk [tilespmem:v13+s14+$0x0], $0xffff;
	v38 =	vor.u32 v0, v18  }
0xbf: {  	v36 =	vmov s29;
	v34 =	vadd.s32 v3, v23;
	[tilespmem:v20+s17+$0x0] =	vst.idx.msk $0xffff, v16;
	v16 =	vor.u32 v4, v10;
	v32 =	vld.idx.msk [tilespmem:v15+s14+$0x0], $0xffff  }
0xc0: {  	v62 =	vadd.s32 v5, v25;
	v43 =	vor.u32 v6, v12;
	v20 =	vor.u32 v4, v12;
	v27 =	vld.idx.msk [tilespmem:v27+s14+$0x0], $0xffff  }
0xc1: {  	s31 =	simm.s32 $0x7;
	v44 =	vadd.s32 v5, v23;
	v63 =	vor.u32 v6, v19;
	v15 =	vshll.u32 v36, $0x6;
	[tilespmem:v11+s17+$0x0] =	vst.idx.msk $0xffff, v9  }
0xc2: {  	v31 =	vadd.s32 v3, v24;
	v40 =	vor.u32 v0, v15;
	v9 =	vmov s31;
	v26 =	vld.idx.msk [tilespmem:v26+s14+$0x0], $0xffff  }
0xc3: {  	s30 =	simm.s32 $0x5;
	v17 =	vor.u32 v4, v21;
	v11 =	vshll.u32 v9, $0x6;
	[tilespmem:v14+s17+$0x0] =	vst.idx.msk $0xffff, v13;
	v38 =	vld.idx.msk [tilespmem:v38+s14+$0x0], $0xffff  }
0xc4: {  	v37 =	vmov s30;
	v25 =	vadd.s32 v7, v25;
	[tilespmem:v33+s17+$0x0] =	vst.idx.msk $0xffff, v32;
	v41 =	vor.u32 v0, v11;
	v60 =	vld.idx.msk [tilespmem:v16+s14+$0x0], $0xffff  }
0xc5: {  	v47 =	vadd.s32 v5, v24;
	v10 =	vshll.u32 v37, $0x6;
	[tilespmem:v34+s17+$0x0] =	vst.idx.msk $0xffff, v27;
	v61 =	vld.idx.msk [tilespmem:v20+s14+$0x0], $0xffff  }
0xc6: {  	v39 =	vor.u32 v0, v10;
	v19 =	vor.u32 v6, v18;
	v13 =	vand.u32 $0x7E, v35;
	v42 =	vld.idx.msk [tilespmem:v28+s14+$0x0], $0xffff  }
0xc7: {  	v14 =	vand.u32 $0x7C, v36;
	v45 =	vadd.s32 v1, v13;
	v28 =	vld.idx.msk [tilespmem:v40+s14+$0x0], $0xffff;
	[tilespmem:v31+s17+$0x0] =	vst.idx.msk $0xffff, v26  }
0xc8: {  	v33 =	vor.u32 v2, v18;
	v34 =	vor.u32 v2, v15;
	v27 =	vadd.s32 v7, v22;
	v46 =	vld.idx.msk [tilespmem:v17+s14+$0x0], $0xffff  }
0xc9: {  	v9 =	vand.u32 $0x7F, v9;
	v16 =	vand.u32 $0x7D, v37;
	v35 =	vadd.s32 v1, v14;
	[tilespmem:v30+s17+$0x0] =	vst.idx.msk $0xffff, v60;
	v30 =	vld.idx.msk [tilespmem:v41+s14+$0x0], $0xffff  }
0xca: {  	v20 =	vor.u32 v2, v11;
	v36 =	vadd.s32 v1, v16;
	[tilespmem:v62+s17+$0x0] =	vst.idx.msk $0xffff, v61;
	v26 =	vld.idx.msk [tilespmem:v29+s14+$0x0], $0xffff  }
0xcb: {  	v17 =	vadd.s32 v7, v24;
	v24 =	vor.u32 v6, v21;
	[tilespmem:v44+s17+$0x0] =	vst.idx.msk $0xffff, v42;
	v29 =	vld.idx.msk [tilespmem:v39+s14+$0x0], $0xffff  }
0xcc: {  	v32 =	vadd.s32 v1, v9;
	v31 =	vor.u32 v2, v10;
	[tilespmem:v45+s17+$0x0] =	vst.idx.msk $0xffff, v38;
	v23 =	vld.idx.msk [tilespmem:v43+s14+$0x0], $0xffff  }
0xcd: {  	s23 =	simm.s32 $0x8;
	v12 =	vadd.s32 v7, v16;
	v21 =	vor.u32 v4, v11;
	v22 =	vld.idx.msk [tilespmem:v63+s14+$0x0], $0xffff;
	[tilespmem:v47+s17+$0x0] =	vst.idx.msk $0xffff, v46  }
.LBB2_10:
0xce: {  	p1 =	slt.u32 s23, $0x7C;
	[tilespmem:v35+s17+$0x0] =	vst.idx.msk $0xffff, v28;
	v28 =	vor.u32 v4, v10;
	v33 =	vld.idx.msk [tilespmem:v33+s14+$0x0], $0xffff;
	v35 =	vadd.s32 v5, v13;
	s1 =	smov.u32 s23;
	s23 =	sadd.s32 $0x4, s23  }
0xcf: {  	v37 =	vadd.s32 v3, v13;
	v38 =	vadd.s32 v3, v9;
	v34 =	vld.idx.msk [tilespmem:v34+s14+$0x0], $0xffff;
	[tilespmem:v27+s17+$0x0] =	vst.idx.msk $0xffff, v26  }
0xd0: {  	v26 =	vadd.s32 v3, v14;
	v27 =	vor.u32 v4, v18;
	[tilespmem:v36+s17+$0x0] =	vst.idx.msk $0xffff, v29;
	v24 =	vld.idx.msk [tilespmem:v24+s14+$0x0], $0xffff  }
0xd1: {  	v39 =	vadd.s32 v3, v16;
	s26 =	sadd.s32 $0x1, s1;
	s28 =	sadd.s32 $0x2, s1;
	v29 =	vmov s1;
	s1 =	sadd.s32 $0x3, s1;
	v36 =	vor.u32 v4, v15;
	v31 =	vld.idx.msk [tilespmem:v31+s14+$0x0], $0xffff;
	[tilespmem:v25+s17+$0x0] =	vst.idx.msk $0xffff, v23  }
0xd2: {  	v23 =	vmov s26;
	v25 =	vmov s28;
	v40 =	vmov s1;
	[tilespmem:v32+s17+$0x0] =	vst.idx.msk $0xffff, v30;
	v30 =	vmovc v10;
	v32 =	vmovc v11  }
0xd3: {  	v10 =	vshll.u32 v23, $0x6;
	v18 =	vshll.u32 v25, $0x6;
	v11 =	vshll.u32 v40, $0x6;
	v41 =	vld.idx.msk [tilespmem:v20+s14+$0x0], $0xffff;
	[tilespmem:v8+s17+$0x0] =	vst.idx.msk $0xffff, v22;
	v22 =	vmovc v14  }
0xd4: {  	v42 =	vshll.u32 v29, $0x6;
	v43 =	vor.u32 v0, v10;
	v44 =	vor.u32 v0, v18;
	[tilespmem:v37+s17+$0x0] =	vst.idx.msk $0xffff, v33  }
0xd5: {  	v33 =	vor.u32 v0, v42;
	v37 =	vor.u32 v0, v11;
	[tilespmem:v26+s17+$0x0] =	vst.idx.msk $0xffff, v34;
	v26 =	vld.idx.msk [tilespmem:v27+s14+$0x0], $0xffff  }
0xd6: {  	v23 =	vand.u32 $0x7D, v23;
	v14 =	vand.u32 $0x7C, v29;
	v27 =	vld.idx.msk [tilespmem:v36+s14+$0x0], $0xffff;
	[tilespmem:v17+s17+$0x0] =	vst.idx.msk $0xffff, v24;
	v24 =	vmovc v13;
	v13 =	vand.u32 $0x7E, v25  }
0xd7: {  	v20 =	vor.u32 v2, v11;
	v17 =	vand.u32 $0x7F, v40;
	v25 =	vadd.s32 v5, v22;
	[tilespmem:v39+s17+$0x0] =	vst.idx.msk $0xffff, v31  }
0xd8: {  	v29 =	vmovc v9;
	v8 =	vmov v12;
	v12 =	vadd.s32 v7, v23;
	v9 =	vmov v17;
	v31 =	vld.idx.msk [tilespmem:v28+s14+$0x0], $0xffff  }
0xd9: {  	v40 =	vor.u32 v6, v15;
	v39 =	vld.idx.msk [tilespmem:v44+s14+$0x0], $0xffff;
	v44 =	vadd.s32 v5, v16;
	[tilespmem:v38+s17+$0x0] =	vst.idx.msk $0xffff, v41  }
0xda: {  	v15 =	vmovc v42;
	v17 =	vadd.s32 v7, v29;
	v38 =	vadd.s32 v1, v13;
	v16 =	vmov v23;
	v41 =	vld.idx.msk [tilespmem:v21+s14+$0x0], $0xffff  }
0xdb: {  	v45 =	vadd.s32 v5, v29;
	v42 =	vor.u32 v6, v30;
	v28 =	vld.idx.msk [tilespmem:v33+s14+$0x0], $0xffff;
	[tilespmem:v35+s17+$0x0] =	vst.idx.msk $0xffff, v26  }
.Ltmp6:
0xdc: {  	v35 =	vadd.s32 v1, v14;
	v33 =	vor.u32 v2, v18;
	[tilespmem:v25+s17+$0x0] =	vst.idx.msk $0xffff, v27;
	v26 =	vld.idx.msk [tilespmem:v19+s14+$0x0], $0xffff;
	(pc) =	sbr.rel @p1 .LBB2_10-.Ltmp6, $4  }
0xdd: {  	v34 =	vor.u32 v2, v15;
	v27 =	vadd.s32 v7, v24;
	v24 =	vor.u32 v6, v32;
	v29 =	vld.idx.msk [tilespmem:v43+s14+$0x0], $0xffff  }
0xde: {  	v36 =	vadd.s32 v1, v16;
	v25 =	vadd.s32 v7, v22;
	v23 =	vld.idx.msk [tilespmem:v40+s14+$0x0], $0xffff;
	[tilespmem:v44+s17+$0x0] =	vst.idx.msk $0xffff, v31  }
0xdf: {  	v19 =	vor.u32 v6, v18;
	v31 =	vor.u32 v2, v10;
	[tilespmem:v38+s17+$0x0] =	vst.idx.msk $0xffff, v39;
	v30 =	vld.idx.msk [tilespmem:v37+s14+$0x0], $0xffff  }
0xe0: {  	v21 =	vor.u32 v4, v11;
	v32 =	vadd.s32 v1, v9;
	v22 =	vld.idx.msk [tilespmem:v42+s14+$0x0], $0xffff;
	[tilespmem:v45+s17+$0x0] =	vst.idx.msk $0xffff, v41  }
0xe1: {  	_ =	sdelay $0x3  }
0xe2: {  	[tilespmem:v35+s17+$0x0] =	vst.idx.msk $0xffff, v28;
	v47 =	vld.idx.msk [tilespmem:v33+s14+$0x0], $0xffff;
	v48 =	vadd.s32 v3, v13  }
0xe3: {  	v49 =	vadd.s32 v3, v14;
	v18 =	vor.u32 v4, v18;
	v34 =	vld.idx.msk [tilespmem:v34+s14+$0x0], $0xffff;
	[tilespmem:v36+s17+$0x0] =	vst.idx.msk $0xffff, v29  }
0xe4: {  	v50 =	vor.u32 v4, v15;
	v51 =	vadd.s32 v3, v16;
	v31 =	vld.idx.msk [tilespmem:v31+s14+$0x0], $0xffff;
	[tilespmem:v32+s17+$0x0] =	vst.idx.msk $0xffff, v30  }
0xe5: {  	v52 =	vor.u32 v4, v10;
	v53 =	vadd.s32 v3, v9;
	v20 =	vld.idx.msk [tilespmem:v20+s14+$0x0], $0xffff;
	_ =	sdelay $0x1  }
0xe6: {  	[tilespmem:v48+s17+$0x0] =	vst.idx.msk $0xffff, v47  }
0xe7: {  	v54 =	vadd.s32 v5, v13;
	[tilespmem:v49+s17+$0x0] =	vst.idx.msk $0xffff, v34;
	v18 =	vld.idx.msk [tilespmem:v18+s14+$0x0], $0xffff  }
0xe8: {  	v55 =	vadd.s32 v5, v14;
	v29 =	vld.idx.msk [tilespmem:v50+s14+$0x0], $0xffff;
	[tilespmem:v51+s17+$0x0] =	vst.idx.msk $0xffff, v31  }
0xe9: {  	v56 =	vor.u32 v6, v15;
	v57 =	vadd.s32 v5, v16;
	v30 =	vld.idx.msk [tilespmem:v52+s14+$0x0], $0xffff;
	[tilespmem:v53+s17+$0x0] =	vst.idx.msk $0xffff, v20  }
0xea: {  	[tilespmem:v27+s17+$0x0] =	vst.idx.msk $0xffff, v26;
	v58 =	vor.u32 v6, v10;
	v59 =	vadd.s32 v5, v9;
	v20 =	vld.idx.msk [tilespmem:v21+s14+$0x0], $0xffff  }
0xeb: {  	v11 =	vor.u32 v6, v11;
	[tilespmem:v25+s17+$0x0] =	vst.idx.msk $0xffff, v23  }
0xec: {  	v60 =	vld.idx.msk [tilespmem:v24+s14+$0x0], $0xffff;
	[tilespmem:v54+s17+$0x0] =	vst.idx.msk $0xffff, v18  }
0xed: {  	v61 =	vadd.s32 v7, v13;
	[tilespmem:v55+s17+$0x0] =	vst.idx.msk $0xffff, v29;
	v18 =	vld.idx.msk [tilespmem:v19+s14+$0x0], $0xffff  }
0xee: {  	v62 =	vadd.s32 v7, v14;
	v15 =	vld.idx.msk [tilespmem:v56+s14+$0x0], $0xffff;
	[tilespmem:v57+s17+$0x0] =	vst.idx.msk $0xffff, v30  }
0xef: {  	v10 =	vld.idx.msk [tilespmem:v58+s14+$0x0], $0xffff;
	[tilespmem:v59+s17+$0x0] =	vst.idx.msk $0xffff, v20  }
0xf0: {  	[tilespmem:v8+s17+$0x0] =	vst.idx.msk $0xffff, v22;
	v8 =	vadd.s32 v7, v9;
	v63 =	vld.idx.msk [tilespmem:v11+s14+$0x0], $0xffff  }
0xf1: {  	[tilespmem:v17+s17+$0x0] =	vst.idx.msk $0xffff, v60  }
0xf2: {  	[tilespmem:v61+s17+$0x0] =	vst.idx.msk $0xffff, v18  }
0xf3: {  	s1 =	sadd.s32 s2, s25;
	[tilespmem:v62+s17+$0x0] =	vst.idx.msk $0xffff, v15  }
0xf4: {  	s1 =	sadd.s32 s24, s1;
	[tilespmem:v12+s17+$0x0] =	vst.idx.msk $0xffff, v10  }
0xf5: {  	s23 =	simm.s32 $0x6300;
	s1 =	sadd.s32 $0x80, s1;
	[tilespmem:v8+s17+$0x0] =	vst.idx.msk $0xffff, v63  }
0xf6: {  	[hbm4b:s1+s3] =	stream.linear.scatter [tilespmem:s23], [sflag:$0x4], $0x80, $0x38;
	[tilespmem:$0x8500] =	vst v63  }
0xf7: {  	s24 =	simm.s32 $0x6388;
	s25 =	sadd.s32 $0x10, s1  }
0xf8: {  	[hbm4b:s25+s3] =	stream.linear.scatter [tilespmem:s24], [sflag:$0x4], $0x80, $0x38;
	[tilespmem:$0x8500] =	vst v63  }
0xf9: {  	s26 =	simm.s32 $0x6410;
	s30 =	simm.s32 $0x6498;
	s29 =	sadd.s32 $0x20, s1  }
0xfa: {  	[hbm4b:s29+s3] =	stream.linear.scatter [tilespmem:s26], [sflag:$0x4], $0x80, $0x38;
	[tilespmem:$0x8500] =	vst v63  }
0xfb: {  	s31 =	sadd.s32 $0x30, s1;
	s28 =	sadd.s32 $0x70, s1;
	s23 =	simm.s32 $0x440  }
0xfc: {  	[hbm4b:s31+s3] =	stream.linear.scatter [tilespmem:s30], [sflag:$0x4], $0x80, $0x38;
	[tilespmem:$0x8500] =	vst v63  }
0xfd: {  	s24 =	simm.s32 $0x6520;
	s25 =	sadd.s32 $0x40, s1;
	s26 =	simm.s32 $0x65A8  }
0xfe: {  	[hbm4b:s25+s3] =	stream.linear.scatter [tilespmem:s24], [sflag:$0x4], $0x80, $0x38;
	[tilespmem:$0x8500] =	vst v63  }
0xff: {  	s29 =	sadd.s32 $0x50, s1;
	s30 =	simm.s32 $0x6630;
	s31 =	sadd.s32 $0x60, s1  }
0x100: {  	[hbm4b:s29+s3] =	stream.linear.scatter [tilespmem:s26], [sflag:$0x4], $0x80, $0x38;
	[tilespmem:$0x8500] =	vst v63  }
0x101: {  	s25 =	simm.s32 $0x2200;
	s24 =	sadd.s32 $0x4000, s1;
	s26 =	simm.s32 $0x66B8  }
0x102: {  	[hbm4b:s31+s3] =	stream.linear.scatter [tilespmem:s30], [sflag:$0x4], $0x80, $0x38;
	[tilespmem:$0x8500] =	vst v63  }
.LBB2_12:
0x103: {  	[hbm4b:s28+s3] =	stream.linear.scatter [tilespmem:s26], [sflag:$0x4], $0x80, $0x38;
	[tilespmem:$0x8500] =	vst v63  }
0x104: {  	s1 =	smov.u32 s23;
	s23 =	smov.u32 s25  }
0x105: {  	s29 =	sadd.s32 $0x1100, s25;
	s23 =	sshra.s32 s23, $0x2;
	s26 =	sadd.s32 $0x6300, s1  }
0x106: {  	[hbm4b:s24+s3] =	stream.linear.scatter [tilespmem:s26], [sflag:$0x4], $0x80, $0x38;
	[tilespmem:$0x8500] =	vst v63  }
0x107: {  	p1 =	sne.s32 s25, $0x7700;
	s25 =	sadd.s32 $0x6388, s1;
	s26 =	sadd.s32 $0x10, s24  }
0x108: {  	[hbm4b:s26+s3] =	stream.linear.scatter [tilespmem:s25], [sflag:$0x4], $0x80, $0x38;
	[tilespmem:$0x8500] =	vst v63  }
0x109: {  	s25 =	sadd.s32 $0x6410, s1;
	s26 =	sadd.s32 $0x20, s24  }
0x10a: {  	[hbm4b:s26+s3] =	stream.linear.scatter [tilespmem:s25], [sflag:$0x4], $0x80, $0x38;
	[tilespmem:$0x8500] =	vst v63  }
0x10b: {  	s25 =	sadd.s32 $0x6498, s1;
	s26 =	sadd.s32 $0x30, s24  }
0x10c: {  	[hbm4b:s26+s3] =	stream.linear.scatter [tilespmem:s25], [sflag:$0x4], $0x80, $0x38;
	[tilespmem:$0x8500] =	vst v63  }
0x10d: {  	s25 =	sadd.s32 $0x6520, s1;
	s26 =	sadd.s32 $0x40, s24  }
0x10e: {  	[hbm4b:s26+s3] =	stream.linear.scatter [tilespmem:s25], [sflag:$0x4], $0x80, $0x38;
	[tilespmem:$0x8500] =	vst v63  }
.Ltmp7:
0x10f: {  	s25 =	sadd.s32 $0x65A8, s1;
	s26 =	sadd.s32 $0x50, s24;
	(pc) =	sbr.rel @p1 .LBB2_12-.Ltmp7, $4  }
0x110: {  	[hbm4b:s26+s3] =	stream.linear.scatter [tilespmem:s25], [sflag:$0x4], $0x80, $0x38;
	[tilespmem:$0x8500] =	vst v63  }
0x111: {  	s28 =	sadd.s32 $0x70, s24;
	s25 =	sadd.s32 $0x6630, s1;
	s26 =	sadd.s32 $0x60, s24  }
0x112: {  	[hbm4b:s26+s3] =	stream.linear.scatter [tilespmem:s25], [sflag:$0x4], $0x80, $0x38;
	[tilespmem:$0x8500] =	vst v63  }
0x113: {  	s24 =	sadd.s32 $0x4000, s24;
	s26 =	sadd.s32 $0x66B8, s1;
	s25 =	smov.u32 s29  }
0x114: {  	[hbm4b:s28+s3] =	stream.linear.scatter [tilespmem:s26], [sflag:$0x4], $0x80, $0x38;
	[tilespmem:$0x8500] =	vst v63  }
0x115: {  	s1 =	sadd.s32 $0x6300, s23  }
0x116: {  	[hbm4b:s24+s3] =	stream.linear.scatter [tilespmem:s1], [sflag:$0x4], $0x80, $0x38;
	[tilespmem:$0x8500] =	vst v63  }
0x117: {  	s31 =	sadd.s32 $0x6388, s23;
	s25 =	sadd.s32 $0x10, s24  }
0x118: {  	[hbm4b:s25+s3] =	stream.linear.scatter [tilespmem:s31], [sflag:$0x4], $0x80, $0x38;
	[tilespmem:$0x8500] =	vst v63  }
0x119: {  	s26 =	sadd.s32 $0x20, s24;
	s25 =	sadd.s32 $0x6410, s23  }
0x11a: {  	[hbm4b:s26+s3] =	stream.linear.scatter [tilespmem:s25], [sflag:$0x4], $0x80, $0x38;
	[tilespmem:$0x8500] =	vst v63  }
0x11b: {  	s28 =	sadd.s32 $0x6498, s23;
	s29 =	sadd.s32 $0x30, s24  }
0x11c: {  	[hbm4b:s29+s3] =	stream.linear.scatter [tilespmem:s28], [sflag:$0x4], $0x80, $0x38;
	[tilespmem:$0x8500] =	vst v63  }
0x11d: {  	s30 =	sadd.s32 $0x6520, s23;
	s31 =	sadd.s32 $0x40, s24  }
0x11e: {  	[hbm4b:s31+s3] =	stream.linear.scatter [tilespmem:s30], [sflag:$0x4], $0x80, $0x38;
	[tilespmem:$0x8500] =	vst v63  }
0x11f: {  	s25 =	sadd.s32 $0x65A8, s23;
	s26 =	sadd.s32 $0x50, s24  }
0x120: {  	[hbm4b:s26+s3] =	stream.linear.scatter [tilespmem:s25], [sflag:$0x4], $0x80, $0x38;
	[tilespmem:$0x8500] =	vst v63  }
.Ltmp8:
0x121: {  	_ = 	snop;
	(pc) =	sbr.rel @p0 .LBB2_15-.Ltmp8, $4  }
0x122: {  	s28 =	sadd.s32 $0x6630, s23;
	s29 =	sadd.s32 $0x60, s24  }
0x123: {  	[hbm4b:s29+s3] =	stream.linear.scatter [tilespmem:s28], [sflag:$0x4], $0x80, $0x38;
	[tilespmem:$0x8500] =	vst v63  }
0x124: {  	s30 =	sadd.s32 $0x66B8, s23;
	s31 =	sadd.s32 $0x70, s24  }
0x125: {  	[hbm4b:s31+s3] =	stream.linear.scatter [tilespmem:s30], [sflag:$0x4], $0x80, $0x38;
	[tilespmem:$0x8500] =	vst v63  }
.Ltmp9:
0x126: {  	(pc) =	sbr.rel .LBB2_2-.Ltmp9, $4  }
0x127: {  	_ =	swait.ge [sflag:s20], $0x80  }
0x128: {  	[sflag:s20] =	ssyncset.done $0x0  }
0x129: {  	s22 =	sadd.s32 $0x1, s22;
	[sflag:s20] =	ssyncadd.s32 $0xFFFFFF80  }
0x12a: {  	[tilespmem:s14], [sflag:$0x2] =	stream.indirect.gather [hbm4b:s4+s12], $0x40, s12, s12, $0xb8;
	[tilespmem:$0x8500] =	vst v63  }
.LBB2_16:
0x12b: {  	_ =	sfence.sel $0x180000  }
0x12c: {  	[bflag:$0x0] =	sbarrier.arrive $0xFFFF  }
0x12d: {  	_ =	strace $0x9000004A  }
0x12e: {  	[bflag:$0x2] =	sbarrier.arrive $0xFFFF  }
0x12f: {  	p0 =	sne.s32 s0, $0x0;
	s0 =	rddreg [dreg:$0x2]  }
0x130: {  	s0 =	sadd.s32 @!p0 $0x100000, s0  }
0x131: {  	[sflag:s0] =	ssyncadd.tile.s32 @!p0 $0x1;
	_ =	shalt  }
.Lfunc_end2:
_tile_overlayer_lowered:
.L_overlay_start_2:
0x132: {  	(tag) =	ssettag $0x2  }
0x133: {  	s0 =	rddreg [dreg:$0x0];
	s2 =	stileid.u32  }
0x134: {  	s1 =	rddreg [dreg:$0x1];
	p0 =	sne.s32 s2, $0x0  }
0x135: {  	s3 =	rddreg [dreg:$0x2];
	[bflag:$0x3] =	sbarrier.arrive $0xFFFF;
	s2 =	simm.s32 @!p0 $0x1C07  }
0x136: {  	[timem:s3], [sflag:s2] =	dma.local @!p0 [hbm:s0], s1  }
0x137: {  	s0 =	simm.s32 @!p0 $0x7  }
0x138: {  	_ =	swait.ge @!p0 [sflag:s0], s1  }
0x139: {  	s1 =	ssub.s32 @!p0 $0x0, s1;
	[sflag:s0] =	ssyncset.done @!p0 $0x0  }
0x13a: {  	[sflag:s0] =	ssyncadd.s32 @!p0 s1  }
0x13b: {  	[bflag:$0x3] =	sbarrier.arrive $0xFFFF  }
0x13c: {  	_ =	shalt  }

// kernel: sparse-core-data-format-call.cloned.1.call-start
scs
called_computation_lowered:
.L_overlay_start_0:
0x0: {  	s2 =	sld [smem:$0x3FD9]  }
0x1: {  	s3 =	sld [smem:$0x3FFE];
	_ =	sdelay $0x1  }
0x2: {  	s1 =	srdreg.scid  }
0x3: {  	s0 =	sand.u32 $0x1, s1  }
0x4: {  	s18 =	sshll.u32 s0, $0xA;
	s2 =	sadd.s32 s3, s2  }
0x5: {  	s2 =	sadd.s32 s2, s18  }
0x6: {  	[smem:$0x3FC6] =	sst s2  }
0x7: {  	_ = 	snop  }
0x8: {  	s2 =	sld [smem:$0x3FC8];
	(tm) =	ssettm $0x1  }
0x9: {  	s19 =	sld [smem:$0x3FFB];
	_ =	sdelay $0x3  }
0xa: {  	_ =	strace s19  }
0xb: {  	s3 =	sld [smem:$0x3FFC];
	_ =	sdelay $0x3  }
0xc: {  	_ =	strace s3  }
0xd: {  	s3 =	sld [smem:$0x3FFD];
	_ =	sdelay $0x3  }
0xe: {  	_ =	strace s3  }
0xf: {  	_ =	strace $0x8FFFFFFF  }
0x10: {  	s20 =	sld [smem:$0x3FDB];
	_ =	sdelay $0x1  }
0x11: {  	s4 =	simm.s32 $_scs_section_size  }
0x12: {  	s5 =	simm.s32 $_size__tile_overlayer_lowered;
	s6 =	simm.s32 $_tile_overlayer_lowered  }
0x13: {  	s23 =	simm.s32 $0x1BFF;
	s22 =	sshll.u32 s6, $0x1;
	s3 =	sadd.s32 s4, s20  }
0x14: {  	s7 =	simm.s32 $0x0;
	s21 =	sshll.u32 s5, $0x1;
	s5 =	sadd.s32 s22, s3  }
0x15: {  	[timem:s7], [sflag:s23] =	dma.local [hbm:s5], s21  }
0x16: {  	_ =	swait.ge [sflag:s23], s21  }
0x17: {  	s4 =	ssub.s32 $0x0, s21;
	[sflag:s23] =	ssyncset.done $0x0  }
0x18: {  	[sflag:s23] =	ssyncadd.s32 s4;
	_ =	sdelay $0x1  }
0x19: {  	s24 =	simm.s32 $0x1B8B  }
0x1a: {  	_ =	swait.ge [sflag:s24], $0x1  }
0x1b: {  	[sflag:s24] =	ssyncset.done $0x0  }
0x1c: {  	s26 =	simm.s32 $0x1B8E;
	s25 =	sld [smem:$0x3FFE];
	[sflag:s24] =	ssyncadd.s32 $0xFFFFFFFF  }
0x1d: {  	s27 =	simm.s32 $execute0_lowered;
	[smem:$0x3FD2] =	sst s26  }
0x1e: {  	s5 =	sshll.u32 s27, $0x1;
	_ =	strace $0x80000046;
	[dreg:$0x1] =	wrdreg $0xFFFFFFFF  }
0x1f: {  	s28 =	simm.s32 $_size_execute0_lowered;
	s3 =	sadd.s32 s3, s5;
	[dreg:$0x0] =	wrdreg $0x0  }
0x20: {  	s5 =	sshll.u32 s28, $0x1;
	[dreg:$0x2] =	wrdreg s3  }
0x21: {  	[dreg:$0x3] =	wrdreg s5  }
0x22: {  	[dreg:$0x4] =	wrdreg $0xC0  }
0x23: {  	_ =	task [dreg:s7], $0x5FFFF  }
0x24: {  	[dreg:$0x1] =	wrdreg $0xFFFFFFFF  }
0x25: {  	[dreg:$0x0] =	wrdreg $0x60  }
0x26: {  	[dreg:$0x2] =	wrdreg s2  }
0x27: {  	[dreg:$0x3] =	wrdreg s25  }
0x28: {  	[dreg:$0x4] =	wrdreg $0x9  }
0x29: {  	_ =	task.clear_ibuf [dreg:s7], $0x5FFFF;
	_ =	strace $0x90000046  }
0x2a: {  	s29 =	simm.s32 $0x9;
	_ =	strace $0x80000048  }
0x2b: {  	_ =	swait.ge [sflag:s29], $0x1  }
0x2c: {  	[sflag:s29] =	ssyncadd.s32 $0xFFFFFFFF  }
0x2d: {  	_ =	strace $0x90000048  }
0x2e: {  	_ =	sfence  }
0x2f: {  	s30 =	sld [smem:$0x0];
	_ =	sdelay $0x2  }
0x30: {  	s31 =	sshll.u32 s1, $0xD;
	s1 =	sshrl.u32 s1, $0x2  }
0x31: {  	s3 =	sand.u32 $0x4000, s31;
	s1 =	sadd.s32 s1, s30  }
0x32: {  	s0 =	sor.u32 s3, s0;
	s1 =	sshll.u32 s1, $0x11  }
0x33: {  	s0 =	sor.u32 s1, s0  }
0x34: {  	s0 =	sadd.s32 $0x8F2B, s0  }
0x35: {  	[sflag:s0] =	ssyncadd.remote.s32 $0x1  }
0x36: {  	_ =	sfence.sel $0xFFFF  }
0x37: {  	[dreg:$0x0] =	wrdreg $0xFFFFFFFF;
	(pc) =	sbr.abs _section_cstart, $3  }
0x38: {  	[dreg:$0x1] =	wrdreg $0xFFFFFFFF  }
0x39: {  	_ =	task.clear_ibuf [dreg:s7], $0x2FFFF;
	_ =	strace $0x9FFFFFFF  }
0x3a: {  	(tm) =	ssettm $0x7FFFFFFF  }
0x3b: {  	_ =	shalt  }
tec
execute0_lowered:
.L_overlay_start_1:
0x0: {  	(tag) =	ssettag $0x1  }
0x1: {  	s0 =	srdreg.scid;
	s2 =	rddreg [dreg:$0x0]  }
0x2: {  	s5 =	rddreg [dreg:$0x1];
	s1 =	stileid.u32  }
0x3: {  	s4 =	simm.s32 $0x1;
	s6 =	simm.s32 $0x2;
	s15 =	simm.s32 $0x0  }
0x4: {  	p0 =	por $0x0, $0x0;
	s8 =	simm.s32 $0x80;
	s0 =	sshll.u32 s0, $0x4  }
0x5: {  	s14 =	simm.s32 $0x0;
	s9 =	simm.s32 $0x0;
	s3 =	sand.u32 $0x10, s0  }
.Ltmp0:
0x6: {  	s10 =	simm.s32 $0x0;
	s3 =	sor.u32 s1, s3;
	(pc) =	sbr.rel .LBB1_1-.Ltmp0, $4  }
0x7: {  	s0 =	rddreg [dreg:$0x2];
	_ =	strace $0x80000047;
	s3 =	sshll.u32 s3, $0x7  }
0x8: {  	s12 =	simm.s32 $0x0;
	[sflag:s4] =	ssyncpa.u1 $0x0;
	s7 =	ssub.s32 $0xF4200, s3  }
0x9: {  	s13 =	simm.s32 $0x0;
	[sflag:s6] =	ssyncpa.u1 $0x0;
	s6 =	sshrl.u32 s7, $0xC  }
0xa: {  	s5 =	sadd.s32 $0xA00, s5;
	s11 =	smov.u32 s3;
	s7 =	sadd.s32 $0x2, s6  }
.LBB1_5:
0xb: {  	p1 =	slt.u32 s13, $0x2  }
0xc: {  	s17 =	smov.u32 s15;
	p2 =	sgt.s32 @!p1 s15, $0xF41C0;
	s16 =	sshra.s32 @!p1 s15, $0x1F  }
0xd: {  	p3 =	sgt.s32 @!p1 s14, $0x40;
	s18 =	sshra.s32 @!p1 s14, $0x1F;
	p2 =	por !p2, p1  }
0xe: {  	s15 =	sand.u32 @!p1 s16, s15;
	p3 =	por !p3, p1;
	s16 =	smov.u32 s14  }
0xf: {  	s14 =	sand.u32 @!p1 s18, s14;
	s17 =	simm.s32 @p2 $0xF41C0;
	s16 =	simm.s32 @p3 $0x40  }
0x10: {  	s15 =	ssub.s32 @!p1 s17, s15;
	s14 =	ssub.s32 @!p1 s16, s14  }
0x11: {  	s18 =	smov.u32 s12;
	s16 =	sadd.s32 @!p1 $0xFFF0BE40, s15;
	s17 =	sadd.s32 @!p1 $0xFFFFFFC0, s14  }
0x12: {  	s15 =	ssub.s32 @!p1 $0xF4240, s15;
	p2 =	sgt.s32 @!p1 s16, $0x7F;
	p3 =	sgt.s32 @!p1 s17, $0x3F  }
0x13: {  	s14 =	ssub.s32 @!p1 $0x80, s14;
	p2 =	por !p2, p1;
	p3 =	por !p3, p1  }
0x14: {  	s16 =	sadd.s32 $0x1000, s11;
	s15 =	simm.s32 @!p2 $0x0;
	s14 =	simm.s32 @!p3 $0x0  }
0x15: {  	p2 =	sgt.s32 s16, $0xF423F;
	s14 =	smul.u32 @!p1 s14, s15;
	s15 =	sadd.s32 $0x40, s12  }
0x16: {  	s18 =	smov.u32 @p2 s15  }
0x17: {  	s16 =	smov.u32 @p2 s3;
	p2 =	sgt.s32 s18, $0x3F  }
0x18: {  	s18 =	simm.s32 @p2 $0x0;
	p2 =	sne.s32 s13, s7  }
.Ltmp1:
0x19: {  	p0 =	por !p0, !p0;
	s17 =	simm.s32 @!p1 $0x2;
	(pc) =	sbr.rel @!p2 .LBB1_6-.Ltmp1, $4  }
0x1a: {  	s15 =	smov.u32 s9;
	s9 =	smov.u32 s11;
	s14 =	sand.u32 @!p1 $0x3FFFFFFF, s14  }
0x1b: {  	s11 =	smov.u32 s16;
	_ =	swait.ge @!p1 [sflag:s17], s14;
	s19 =	ssub.s32 @!p1 $0x0, s14  }
0x1c: {  	s14 =	smov.u32 s10;
	s13 =	sadd.s32 $0x1, s13;
	[sflag:s17] =	ssyncset.done @!p1 $0x0  }
0x1d: {  	s10 =	smov.u32 s12;
	s12 =	smov.u32 s18;
	[sflag:s17] =	ssyncadd.s32 @!p1 s19  }
.LBB1_1:
0x1e: {  	p1 =	sgt.u32 s13, s6  }
0x1f: {  	s16 =	sshrl.u32 @!p1 s12, $0x3  }
0x20: {  	s17 =	sshll.u32 @!p1 s11, $0x3;
	s16 =	smul.u32 @!p1 $0x7A1400, s16  }
0x21: {  	s18 =	sshll.u32 @!p1 s12, $0x7;
	s17 =	sand.u32 @!p1 $0xFFFFFC00, s17  }
0x22: {  	s16 =	sadd.s32 @!p1 s16, s17;
	s17 =	sand.u32 @!p1 $0x380, s18  }
0x23: {  	s18 =	sand.u32 @!p1 $0x7F, s11;
	s16 =	sor.u32 @!p1 s17, s16  }
0x24: {  	s17 =	sor.u32 @!p1 s18, s16  }
0x25: {  	s18 =	smulhi.u32 @!p1 $0x218D6287, s17;
	_ =	sdelay $0x1  }
0x26: {  	s16 =	smulhi.u32 @!p1 $0x218D6287, s16;
	s18 =	sshrl.u32 @!p1 s18, $0x11  }
0x27: {  	s18 =	smul.u32 @!p1 $0xF4280, s18  }
0x28: {  	s19 =	sxor.u32 @!p1 $0xFFFFFFFF, s13;
	s16 =	sshrl.u32 @!p1 s16, $0x11  }
0x29: {  	s19 =	sshll.u32 @!p1 s19, $0xD;
	s16 =	sand.u32 @!p1 $0x3F, s16;
	s17 =	ssub.s32 @!p1 s17, s18  }
0x2a: {  	s16 =	smul.u32 @!p1 $0x1E850, s16;
	s18 =	sshrl.u32 @!p1 s17, $0x3;
	s17 =	sand.u32 @!p1 $0x7, s17  }
0x2b: {  	s19 =	sand.u32 @!p1 $0x2000, s19;
	s18 =	sadd.s32 @!p1 s2, s18;
	s17 =	sshll.u32 @!p1 s17, $0x12  }
0x2c: {  	s16 =	sadd.s32 @!p1 s16, s18;
	s17 =	sor.u32 @!p1 $0x400, s17;
	s18 =	simm.s32 @!p1 $0x7A1400  }
0x2d: {  	[tilespmem:s19], [sflag:$0x1] =	stream.strided.gather @!p1 [hbm4b:s16+s17], $0x2000, s18, s17, $0x38;
	[tilespmem:$0x8100] =	vst v63  }
0x2e: {  	p1 =	seq.s32 s13, $0x0  }
0x2f: {  	p2 =	sge.u32 @!p1 s13, s7  }
0x30: {  	p1 =	por p1, p2  }
.Ltmp2:
0x31: {  	_ = 	snop;
	(pc) =	sbr.rel @p1 .LBB1_5-.Ltmp2, $1  }
0x32: {  	_ =	sdelay $0x3  }
0x33: {  	s16 =	simm.s32 $0x1  }
0x34: {  	_ =	swait.ge [sflag:s4], $0x2000;
	s16 =	simm.s32 @!p0 $0x0  }
0x35: {  	[sflag:s4] =	ssyncset.done $0x0;
	s17 =	sshll.u32 s16, $0xD  }
0x36: {  	[sflag:s4] =	ssyncadd.s32 $0xFFFFE000;
	s17 =	sor.u32 $0x40, s17  }
0x37: {  	s16 =	smul.u32 $0x8200, s16;
	v0 =	vld [tilespmem:s17+$0x30]  }
0x38: {  	v1 =	vld [tilespmem:s17+$0xFFFFFFD0]  }
0x39: {  	s16 =	sshrl.u32 s16, $0x2;
	v5 =	vld [tilespmem:s17+$0xFFFFFFE0]  }
0x3a: {  	v6 =	vld [tilespmem:s17+$0xFFFFFFF0];
	s19 =	sor.u32 $0x4000, s16  }
0x3b: {  	s31 =	sand.u32 $0x1, s13;
	v4 =	vld [tilespmem:s17+$0x0];
	s18 =	sadd.s32 $0x0, s19  }
0x3c: {  	v3 =	vld [tilespmem:s17+$0x10];
	s16 =	smul.u32 $0x8200, s31;
	[tilespmem:s18+$0x1C70 ss:$0x41] =	vst.msk $0xffff, v0  }
0x3d: {  	v2 =	vld [tilespmem:s17+$0x20];
	[tilespmem:s18+$0x410 ss:$0x41] =	vst.msk $0xffff, v1  }
0x3e: {  	s16 =	sshrl.u32 s16, $0x2;
	v1 =	vld [tilespmem:s17+$0xFFFFFFC0];
	[tilespmem:s18+$0x820 ss:$0x41] =	vst.msk $0xffff, v5;
	s17 =	sadd.s32 $0x80, s17  }
0x3f: {  	s20 =	simm.s32 $0x4;
	s21 =	simm.s32 $0x8;
	s16 =	sor.u32 $0x4000, s16;
	[tilespmem:s18+$0xC30 ss:$0x41] =	vst.msk $0xffff, v6;
	v0 =	vld [tilespmem:s17+$0x30]  }
.LBB1_3:
0x40: {  	p1 =	sne.s32 s21, $0xFC;
	v5 =	vld [tilespmem:s17+$0xFFFFFFD0];
	[tilespmem:s18+$0x1040 ss:$0x41] =	vst.msk $0xffff, v4  }
0x41: {  	v6 =	vld [tilespmem:s17+$0xFFFFFFE0];
	[tilespmem:s18+$0x1450 ss:$0x41] =	vst.msk $0xffff, v3  }
0x42: {  	s22 =	sshra.s32 s20, $0x2;
	s20 =	smov.u32 s21;
	v7 =	vld [tilespmem:s17+$0xFFFFFFF0];
	[tilespmem:s18+$0x1860 ss:$0x41] =	vst.msk $0xffff, v2  }
.Ltmp3:
0x43: {  	v4 =	vld [tilespmem:s17+$0x0];
	[tilespmem:s18+$0x0 ss:$0x41] =	vst.msk $0xffff, v1;
	s18 =	sadd.s32 s22, s19;
	(pc) =	sbr.rel @p1 .LBB1_3-.Ltmp3, $4  }
0x44: {  	v3 =	vld [tilespmem:s17+$0x10];
	[tilespmem:s18+$0x1C70 ss:$0x41] =	vst.msk $0xffff, v0  }
0x45: {  	[tilespmem:s18+$0x410 ss:$0x41] =	vst.msk $0xffff, v5;
	v2 =	vld [tilespmem:s17+$0x20]  }
0x46: {  	v1 =	vld [tilespmem:s17+$0xFFFFFFC0];
	[tilespmem:s18+$0x820 ss:$0x41] =	vst.msk $0xffff, v6;
	s17 =	sadd.s32 $0x80, s17  }
0x47: {  	s21 =	sadd.s32 $0x4, s21;
	v0 =	vld [tilespmem:s17+$0x30];
	[tilespmem:s18+$0xC30 ss:$0x41] =	vst.msk $0xffff, v7  }
0x48: {  	s21 =	sshll.u32 s9, $0x7;
	s22 =	sshll.u32 s10, $0x3;
	s20 =	sshra.s32 s20, $0x2  }
0x49: {  	p1 =	sgt.s32 s9, $0xF41C0;
	s30 =	sshra.s32 s9, $0x1F;
	s25 =	sshra.s32 s10, $0x1F  }
0x4a: {  	v5 =	vld [tilespmem:s17+$0xFFFFFFD0];
	s28 =	sshrl.u32 s10, $0x3;
	s23 =	sand.u32 $0xFFFFFC00, s21;
	s22 =	sand.u32 $0xFFFFFC00, s22  }
0x4b: {  	[tilespmem:s18+$0x1040 ss:$0x41] =	vst.msk $0xffff, v4;
	v58 =	vld [tilespmem:s17+$0xFFFFFFE0];
	s21 =	sand.u32 $0x380, s21;
	s19 =	sadd.s32 s20, s19;
	s22 =	sadd.s32 s22, s23  }
0x4c: {  	v59 =	vld [tilespmem:s17+$0xFFFFFFF0];
	[tilespmem:s18+$0x1450 ss:$0x41] =	vst.msk $0xffff, v3;
	s29 =	sor.u32 s21, s22;
	s21 =	smov.u32 s9;
	s22 =	sand.u32 s30, s9  }
0x4d: {  	v60 =	vld [tilespmem:s17+$0x0];
	[tilespmem:s18+$0x1860 ss:$0x41] =	vst.msk $0xffff, v2;
	s30 =	sand.u32 $0x7, s10;
	s20 =	sshrl.u32 s29, $0x7;
	s21 =	simm.s32 @!p1 $0xF41C0  }
0x4e: {  	v61 =	vld [tilespmem:s17+$0x10];
	[tilespmem:s18+$0x0 ss:$0x41] =	vst.msk $0xffff, v1;
	p1 =	sgt.s32 s10, $0x40;
	s24 =	ssub.s32 s21, s22;
	s21 =	smov.u32 s10  }
0x4f: {  	v62 =	vld [tilespmem:s17+$0x20];
	[tilespmem:s19+$0x1C70 ss:$0x41] =	vst.msk $0xffff, v0;
	s31 =	smulhi.u32 $0x218DEF5, s20;
	s22 =	sand.u32 s25, s10;
	s21 =	simm.s32 @!p1 $0x40  }
0x50: {  	v63 =	vld [tilespmem:s17+$0xFFFFFFC0];
	[tilespmem:s19+$0x410 ss:$0x41] =	vst.msk $0xffff, v5;
	s26 =	sadd.s32 $0xFFF0BE40, s24;
	s17 =	ssub.s32 $0xF4240, s24;
	s21 =	ssub.s32 s21, s22  }
0x51: {  	[tilespmem:s19+$0x820 ss:$0x41] =	vst.msk $0xffff, v58;
	s23 =	sshrl.u32 s31, $0xD;
	p1 =	sgt.s32 s26, $0x7F;
	s27 =	sadd.s32 $0xFFFFFFC0, s21  }
0x52: {  	[tilespmem:s19+$0xC30 ss:$0x41] =	vst.msk $0xffff, v59;
	s23 =	smul.u32 $0xF4240, s23;
	s18 =	ssub.s32 $0x80, s21;
	p2 =	sgt.s32 s27, $0x3F  }
.Ltmp4:
0x53: {  	[tilespmem:s19+$0x1040 ss:$0x41] =	vst.msk $0xffff, v60;
	s17 =	simm.s32 @p1 $0x0;
	s18 =	simm.s32 @p2 $0x0;
	(pc) =	sbr.rel .LBB1_5-.Ltmp4, $4  }
0x54: {  	s29 =	sand.u32 $0xF, s28;
	[tilespmem:s19+$0x1450 ss:$0x41] =	vst.msk $0xffff, v61;
	s20 =	ssub.s32 s20, s23;
	s17 =	smul.u32 s18, s17  }
0x55: {  	[tilespmem:s19+$0x1860 ss:$0x41] =	vst.msk $0xffff, v62;
	s21 =	sshll.u32 s30, $0x12;
	s20 =	sshll.u32 s20, $0x4;
	s18 =	sadd.s32 s5, s29  }
0x56: {  	[tilespmem:s19+$0x0 ss:$0x41] =	vst.msk $0xffff, v63;
	s31 =	sor.u32 $0x40, s21;
	s18 =	sadd.s32 s20, s18;
	s17 =	sand.u32 $0x3FFFFFFF, s17  }
0x57: {  	[hbm4b:s18+s31] =	stream.strided.scatter [tilespmem:s16], [sflag:$0x2], s17, s8, s31, $0x18;
	[tilespmem:$0x8100] =	vst v63  }
.LBB1_6:
0x58: {  	_ =	sfence.sel $0x180000  }
0x59: {  	s2 =	simm.s32 $0x1;
	[bflag:$0x0] =	sbarrier.arrive $0xFFFF  }
0x5a: {  	s31 =	simm.s32 $0x2;
	[sflag:s2] =	ssyncpa.u1 $0x1  }
0x5b: {  	[sflag:s31] =	ssyncpa.u1 $0x1  }
0x5c: {  	p0 =	sne.s32 s1, $0x0;
	_ =	strace $0x90000047  }
0x5d: {  	s0 =	sadd.s32 @!p0 $0x100000, s0;
	[bflag:$0x2] =	sbarrier.arrive $0xFFFF  }
0x5e: {  	[sflag:s0] =	ssyncadd.tile.s32 @!p0 $0x1;
	_ =	shalt  }
.Lfunc_end1:
_tile_overlayer_lowered:
.L_overlay_start_2:
0x5f: {  	(tag) =	ssettag $0x2  }
0x60: {  	s0 =	rddreg [dreg:$0x0];
	s2 =	stileid.u32  }
0x61: {  	s1 =	rddreg [dreg:$0x1];
	p0 =	sne.s32 s2, $0x0  }
0x62: {  	s3 =	rddreg [dreg:$0x2];
	[bflag:$0x3] =	sbarrier.arrive $0xFFFF;
	s2 =	simm.s32 @!p0 $0x1C01  }
0x63: {  	[timem:s3], [sflag:s2] =	dma.local @!p0 [hbm:s0], s1  }
0x64: {  	s0 =	simm.s32 @!p0 $0x1  }
0x65: {  	_ =	swait.ge @!p0 [sflag:s0], s1  }
0x66: {  	s1 =	ssub.s32 @!p0 $0x0, s1;
	[sflag:s0] =	ssyncset.done @!p0 $0x0  }
0x67: {  	[sflag:s0] =	ssyncadd.s32 @!p0 s1  }
0x68: {  	[bflag:$0x3] =	sbarrier.arrive $0xFFFF  }
0x69: {  	_ =	shalt  }

</sc_bundles>
